<compile_context>
chip_gen: v7x
topology: tpu7x:2x2x1
jax: 0.10.2.dev20260603
libtpu: 0.0.44.dev20260713+nightly
codegen_flags: <defaults>
</compile_context>

<pallas_src>
import jax
import jax.numpy as jnp
from jax import lax
from jax.experimental import pallas as pl
from jax.experimental.pallas import tpu as pltpu
from jax.experimental.pallas import tpu_sc as plsc

_EMB = 128
_HID = 128
_NSUB = 8
_CHUNK = _HID // _NSUB


def _sc_body(emb_hbm, w1f_hbm, b1_hbm, out_hbm, rows_v, wf_v, b_v, y_v):
    c = lax.axis_index("c")
    s = lax.axis_index("s")

    @pl.when((c == 0) & (s < _NSUB))
    def _():
        base = s * _CHUNK
        pltpu.sync_copy(emb_hbm.at[pl.ds(0, 2)], rows_v)
        pltpu.sync_copy(w1f_hbm.at[pl.ds(base * _EMB, _CHUNK * _EMB)], wf_v)
        pltpu.sync_copy(b1_hbm.at[pl.ds(base, _CHUNK)], b_v)
        row_off = lax.iota(jnp.int32, 16) * _EMB
        acc = b_v[...]
        for p in range(_EMB // 16):
            xi = (rows_v[0, pl.ds(16 * p, 16)] + rows_v[1, pl.ds(16 * p, 16)]) * 0.5
            for l in range(16):
                col = plsc.load_gather(wf_v, [row_off + (16 * p + l)])
                acc = acc + xi[l] * col
        y_v[...] = jnp.maximum(acc, 0.0)
        pltpu.sync_copy(y_v, out_hbm.at[s])


def kernel(label, embedding, W1, b1):
    del label
    sc_fn = pl.kernel(
        _sc_body,
        out_type=jax.ShapeDtypeStruct((_NSUB, _CHUNK), jnp.float32),
        mesh=plsc.VectorSubcoreMesh(core_axis_name="c", subcore_axis_name="s"),
        compiler_params=pltpu.CompilerParams(needs_layout_passes=False),
        scratch_types=[
            pltpu.VMEM((2, _EMB), jnp.float32),
            pltpu.VMEM((_CHUNK * _EMB,), jnp.float32),
            pltpu.VMEM((_CHUNK,), jnp.float32),
            pltpu.VMEM((_CHUNK,), jnp.float32),
        ],
    )
    return sc_fn(embedding, W1.reshape(_HID * _EMB), b1).reshape(1, _HID)

# --- scband reference (transcript-rebuilt; emitter-appended) ---
"""Pipeline reference for scband-text-mlp-80951543595884 (READ-ONLY COPY).

The authoritative reference and input builder live on the scoring server;
editing this copy changes nothing except your own understanding.
"""

import jax, jax.numpy as jnp
import numpy as np

VOCAB = 1000000
EMB = 128
HID = 128
LABEL_MAP = {0: 'Un avion', 1: 'Un automovil', 2: 'Un pajaro', 3: 'Un gato', 4: 'Un ciervo', 5: 'Un perro', 6: 'Una rana', 7: 'Un caballo', 8: 'Un barco', 9: 'Un camion'}


def setup_inputs(seed: int = 0) -> dict:
    key = jax.random.key(seed)
    k1, k2, k3 = jax.random.split(key, 3)
    embedding = jax.random.normal(k1, (VOCAB, EMB), dtype=jnp.float32)
    W1 = jax.random.normal(k2, (HID, EMB), dtype=jnp.float32) * 0.05
    b1 = jax.random.normal(k3, (HID,), dtype=jnp.float32) * 0.05
    label = 3
    return {"label": label, "embedding": embedding, "W1": W1, "b1": b1}


def reference(label, embedding, W1, b1):
    # Python-side text processing, faithful to the torch module
    input_text = LABEL_MAP.get(3, '')
    words = input_text.split()
    vocab = {word: idx for idx, word in enumerate(words)}
    indices = [vocab[word] for word in words if word in vocab]
    if not indices:
        return jnp.zeros((1, W1.shape[0]), dtype=jnp.float32)
    idx = jnp.asarray(indices, dtype=jnp.int32)
    idx = idx + jnp.asarray(label, dtype=jnp.int32) * 0
    x_lbl = jnp.take(embedding, idx, axis=0)          # embedding gather
    x_lbl = jnp.mean(x_lbl, axis=0, keepdims=True)    # mean pool over words
    x_label = jax.nn.relu(x_lbl @ W1.T + b1)          # fc1 + relu
    return x_label

if __name__ == "__main__":
    import jax
    _d = setup_inputs()
    print(jax.jit(kernel)(*tuple(_d.values())))

</pallas_src>

<mosaic_0001>
#map = affine_map<(d0, d1) -> (0, 0)>
#map1 = affine_map<(d0, d1) -> (0)>
module attributes {stable_mosaic.version = 14 : i64} {
  func.func @_sc_body(%arg0: i32, %arg1: i32, %arg2: memref<1000000x128xf32, #tpu.memory_space<hbm>>, %arg3: memref<16384xf32, #tpu.memory_space<hbm>>, %arg4: memref<128xf32, #tpu.memory_space<hbm>>, %arg5: memref<8x16xf32, #tpu.memory_space<hbm>>, %arg6: memref<2x128xf32, #tpu.memory_space<vmem>>, %arg7: memref<2048xf32, #tpu.memory_space<vmem>>, %arg8: memref<16xf32, #tpu.memory_space<vmem>>, %arg9: memref<16xf32, #tpu.memory_space<vmem>>) attributes {dimension_semantics = [#tpu.dimension_semantics<core_parallel>, #tpu.dimension_semantics<subcore_parallel>], iteration_bounds = array<i64: 2, 16>, scalar_prefetch = 0 : i64, scratch_operands = 4 : i64, tpu.core_type = #tpu.core_type<sc_vector_subcore>, window_params = [{transform_indices = #map}, {transform_indices = #map1}, {transform_indices = #map1}, {transform_indices = #map}]} {
    %eq3A = arith.constant 0 : i32
    %eq3A_0 = arith.cmpi eq, %arg0, %eq3A : i32
    %lt3A = arith.constant 8 : i32
    %lt3A_1 = arith.cmpi slt, %arg1, %lt3A : i32
    %and3A = arith.andi %eq3A_0, %lt3A_1 : i1
    %convert_element_type3A = arith.extui %and3A : i1 to i32
    %cond3A = arith.constant 0 : i32
    %cond3A_2 = arith.cmpi ne, %convert_element_type3A, %cond3A : i32
    scf.if %cond3A_2 {
      %mul3A = arith.constant 16 : i32
      %mul3A_3 = arith.muli %arg1, %mul3A : i32
      "tpu.region"() ({
        %run_scoped3A = tpu.sem_alloc : memref<!tpu.dma_semaphore, #tpu.memory_space<semaphore_mem>>
        %dma_start3A = arith.constant 0 : i32
        %dma_start3A_1257 = arith.constant 0 : i32
        %dma_start3A_1258 = tpu.memref_slice %arg2[%dma_start3A, %dma_start3A_1257] : memref<1000000x128xf32, #tpu.memory_space<hbm>> -> memref<2x128xf32, #tpu.memory_space<hbm>>
        %dma_start3A_1259 = arith.constant 0 : i32
        %dma_start3A_1260 = arith.constant 0 : i32
        %dma_start3A_1261 = tpu.memref_slice %arg2[%dma_start3A_1259, %dma_start3A_1260] : memref<1000000x128xf32, #tpu.memory_space<hbm>> -> memref<2x128xf32, #tpu.memory_space<hbm>>
        tpu.enqueue_dma source(%dma_start3A_1261 : memref<2x128xf32, #tpu.memory_space<hbm>>) target(%arg6 : memref<2x128xf32, #tpu.memory_space<vmem>>) target_semaphore(%run_scoped3A : memref<!tpu.dma_semaphore, #tpu.memory_space<semaphore_mem>>)
        %dma_wait3A = arith.constant 0 : i32
        %dma_wait3A_1262 = arith.constant 0 : i32
        %dma_wait3A_1263 = tpu.memref_slice %arg2[%dma_wait3A, %dma_wait3A_1262] : memref<1000000x128xf32, #tpu.memory_space<hbm>> -> memref<2x128xf32, #tpu.memory_space<hbm>>
        %dma_wait3A_1264 = arith.constant 0 : i32
        %dma_wait3A_1265 = arith.constant 0 : i32
        %dma_wait3A_1266 = tpu.memref_slice %arg2[%dma_wait3A_1264, %dma_wait3A_1265] : memref<1000000x128xf32, #tpu.memory_space<hbm>> -> memref<2x128xf32, #tpu.memory_space<hbm>>
        tpu.wait_dma2 semaphore(%run_scoped3A : memref<!tpu.dma_semaphore, #tpu.memory_space<semaphore_mem>>) src(%dma_wait3A_1266 : memref<2x128xf32, #tpu.memory_space<hbm>>) dst(%arg6 : memref<2x128xf32, #tpu.memory_space<vmem>>)
        tpu.yield
      }) : () -> ()
      %mul3A_4 = arith.constant 128 : i32
      %mul3A_5 = arith.muli %mul3A_3, %mul3A_4 : i32
      "tpu.region"() ({
        %run_scoped3A = tpu.sem_alloc : memref<!tpu.dma_semaphore, #tpu.memory_space<semaphore_mem>>
        %dma_start3A = tpu.memref_slice %arg3[%mul3A_5] : memref<16384xf32, #tpu.memory_space<hbm>> -> memref<2048xf32, #tpu.memory_space<hbm>>
        %dma_start3A_1257 = tpu.memref_slice %arg3[%mul3A_5] : memref<16384xf32, #tpu.memory_space<hbm>> -> memref<2048xf32, #tpu.memory_space<hbm>>
        tpu.enqueue_dma source(%dma_start3A_1257 : memref<2048xf32, #tpu.memory_space<hbm>>) target(%arg7 : memref<2048xf32, #tpu.memory_space<vmem>>) target_semaphore(%run_scoped3A : memref<!tpu.dma_semaphore, #tpu.memory_space<semaphore_mem>>)
        %dma_wait3A = tpu.memref_slice %arg3[%mul3A_5] : memref<16384xf32, #tpu.memory_space<hbm>> -> memref<2048xf32, #tpu.memory_space<hbm>>
        %dma_wait3A_1258 = tpu.memref_slice %arg3[%mul3A_5] : memref<16384xf32, #tpu.memory_space<hbm>> -> memref<2048xf32, #tpu.memory_space<hbm>>
        tpu.wait_dma2 semaphore(%run_scoped3A : memref<!tpu.dma_semaphore, #tpu.memory_space<semaphore_mem>>) src(%dma_wait3A_1258 : memref<2048xf32, #tpu.memory_space<hbm>>) dst(%arg7 : memref<2048xf32, #tpu.memory_space<vmem>>)
        tpu.yield
      }) : () -> ()
      "tpu.region"() ({
        %run_scoped3A = tpu.sem_alloc : memref<!tpu.dma_semaphore, #tpu.memory_space<semaphore_mem>>
        %dma_start3A = tpu.memref_slice %arg4[%mul3A_3] : memref<128xf32, #tpu.memory_space<hbm>> -> memref<16xf32, #tpu.memory_space<hbm>>
        %dma_start3A_1257 = tpu.memref_slice %arg4[%mul3A_3] : memref<128xf32, #tpu.memory_space<hbm>> -> memref<16xf32, #tpu.memory_space<hbm>>
        tpu.enqueue_dma source(%dma_start3A_1257 : memref<16xf32, #tpu.memory_space<hbm>>) target(%arg8 : memref<16xf32, #tpu.memory_space<vmem>>) target_semaphore(%run_scoped3A : memref<!tpu.dma_semaphore, #tpu.memory_space<semaphore_mem>>)
        %dma_wait3A = tpu.memref_slice %arg4[%mul3A_3] : memref<128xf32, #tpu.memory_space<hbm>> -> memref<16xf32, #tpu.memory_space<hbm>>
        %dma_wait3A_1258 = tpu.memref_slice %arg4[%mul3A_3] : memref<128xf32, #tpu.memory_space<hbm>> -> memref<16xf32, #tpu.memory_space<hbm>>
        tpu.wait_dma2 semaphore(%run_scoped3A : memref<!tpu.dma_semaphore, #tpu.memory_space<semaphore_mem>>) src(%dma_wait3A_1258 : memref<16xf32, #tpu.memory_space<hbm>>) dst(%arg8 : memref<16xf32, #tpu.memory_space<vmem>>)
        tpu.yield
      }) : () -> ()
      %iota3A = tpu.iota {dimensions = array<i32: 0>} : vector<16xi32>
      %mul3A_6 = arith.constant 128 : i32
      %mul3A_7 = vector.broadcast %mul3A_6 : i32 to vector<16xi32>
      %mul3A_8 = arith.muli %iota3A, %mul3A_7 : vector<16xi32>
      %get3A = arith.constant 0 : index
      %get3A_9 = tpu.vector_load %arg8[%get3A] {strides = array<i32>} : memref<16xf32, #tpu.memory_space<vmem>>, vector<16xf32>,
      %get3A_10 = arith.constant 0 : i32
      %get3A_11 = arith.index_cast %get3A_10 : i32 to index
      %get3A_12 = arith.constant 0 : index
      %get3A_13 = tpu.vector_load %arg6[%get3A_11, %get3A_12] {strides = array<i32>} : memref<2x128xf32, #tpu.memory_space<vmem>>, vector<16xf32>,
      %get3A_14 = arith.constant 1 : i32
      %get3A_15 = arith.index_cast %get3A_14 : i32 to index
      %get3A_16 = arith.constant 0 : index
      %get3A_17 = tpu.vector_load %arg6[%get3A_15, %get3A_16] {strides = array<i32>} : memref<2x128xf32, #tpu.memory_space<vmem>>, vector<16xf32>,
      %add3A = arith.addf %get3A_13, %get3A_17 : vector<16xf32>
      %mul3A_18 = arith.constant 5.000000e-01 : f32
      %mul3A_19 = vector.broadcast %mul3A_18 : f32 to vector<16xf32>
      %mul3A_20 = arith.mulf %add3A, %mul3A_19 : vector<16xf32>
      %add3A_21 = arith.constant 0 : i32
      %add3A_22 = vector.broadcast %add3A_21 : i32 to vector<16xi32>
      %add3A_23 = arith.addi %mul3A_8, %add3A_22 : vector<16xi32>
      %gather3A = tpu.vector_load_idx %arg7[%add3A_23] : memref<2048xf32, #tpu.memory_space<vmem>>[vector<16xi32>], vector<16xf32>,
      %slice3A = vector.extract_strided_slice %mul3A_20 {offsets = [0], sizes = [1], strides = [1]} : vector<16xf32> to vector<1xf32>
      %squeeze3A = vector.extract %slice3A[0] : f32 from vector<1xf32>
      %mul3A_24 = vector.broadcast %squeeze3A : f32 to vector<16xf32>
      %mul3A_25 = arith.mulf %mul3A_24, %gather3A : vector<16xf32>
      %add3A_26 = arith.addf %get3A_9, %mul3A_25 : vector<16xf32>
      %add3A_27 = arith.constant 1 : i32
      %add3A_28 = vector.broadcast %add3A_27 : i32 to vector<16xi32>
      %add3A_29 = arith.addi %mul3A_8, %add3A_28 : vector<16xi32>
      %gather3A_30 = tpu.vector_load_idx %arg7[%add3A_29] : memref<2048xf32, #tpu.memory_space<vmem>>[vector<16xi32>], vector<16xf32>,
      %slice3A_31 = vector.extract_strided_slice %mul3A_20 {offsets = [1], sizes = [1], strides = [1]} : vector<16xf32> to vector<1xf32>
      %squeeze3A_32 = vector.extract %slice3A_31[0] : f32 from vector<1xf32>
      %mul3A_33 = vector.broadcast %squeeze3A_32 : f32 to vector<16xf32>
      %mul3A_34 = arith.mulf %mul3A_33, %gather3A_30 : vector<16xf32>
      %add3A_35 = arith.addf %add3A_26, %mul3A_34 : vector<16xf32>
      %add3A_36 = arith.constant 2 : i32
      %add3A_37 = vector.broadcast %add3A_36 : i32 to vector<16xi32>
      %add3A_38 = arith.addi %mul3A_8, %add3A_37 : vector<16xi32>
      %gather3A_39 = tpu.vector_load_idx %arg7[%add3A_38] : memref<2048xf32, #tpu.memory_space<vmem>>[vector<16xi32>], vector<16xf32>,
      %slice3A_40 = vector.extract_strided_slice %mul3A_20 {offsets = [2], sizes = [1], strides = [1]} : vector<16xf32> to vector<1xf32>
      %squeeze3A_41 = vector.extract %slice3A_40[0] : f32 from vector<1xf32>
      %mul3A_42 = vector.broadcast %squeeze3A_41 : f32 to vector<16xf32>
      %mul3A_43 = arith.mulf %mul3A_42, %gather3A_39 : vector<16xf32>
      %add3A_44 = arith.addf %add3A_35, %mul3A_43 : vector<16xf32>
      %add3A_45 = arith.constant 3 : i32
      %add3A_46 = vector.broadcast %add3A_45 : i32 to vector<16xi32>
      %add3A_47 = arith.addi %mul3A_8, %add3A_46 : vector<16xi32>
      %gather3A_48 = tpu.vector_load_idx %arg7[%add3A_47] : memref<2048xf32, #tpu.memory_space<vmem>>[vector<16xi32>], vector<16xf32>,
      %slice3A_49 = vector.extract_strided_slice %mul3A_20 {offsets = [3], sizes = [1], strides = [1]} : vector<16xf32> to vector<1xf32>
      %squeeze3A_50 = vector.extract %slice3A_49[0] : f32 from vector<1xf32>
      %mul3A_51 = vector.broadcast %squeeze3A_50 : f32 to vector<16xf32>
      %mul3A_52 = arith.mulf %mul3A_51, %gather3A_48 : vector<16xf32>
      %add3A_53 = arith.addf %add3A_44, %mul3A_52 : vector<16xf32>
      %add3A_54 = arith.constant 4 : i32
      %add3A_55 = vector.broadcast %add3A_54 : i32 to vector<16xi32>
      %add3A_56 = arith.addi %mul3A_8, %add3A_55 : vector<16xi32>
      %gather3A_57 = tpu.vector_load_idx %arg7[%add3A_56] : memref<2048xf32, #tpu.memory_space<vmem>>[vector<16xi32>], vector<16xf32>,
      %slice3A_58 = vector.extract_strided_slice %mul3A_20 {offsets = [4], sizes = [1], strides = [1]} : vector<16xf32> to vector<1xf32>
      %squeeze3A_59 = vector.extract %slice3A_58[0] : f32 from vector<1xf32>
      %mul3A_60 = vector.broadcast %squeeze3A_59 : f32 to vector<16xf32>
      %mul3A_61 = arith.mulf %mul3A_60, %gather3A_57 : vector<16xf32>
      %add3A_62 = arith.addf %add3A_53, %mul3A_61 : vector<16xf32>
      %add3A_63 = arith.constant 5 : i32
      %add3A_64 = vector.broadcast %add3A_63 : i32 to vector<16xi32>
      %add3A_65 = arith.addi %mul3A_8, %add3A_64 : vector<16xi32>
      %gather3A_66 = tpu.vector_load_idx %arg7[%add3A_65] : memref<2048xf32, #tpu.memory_space<vmem>>[vector<16xi32>], vector<16xf32>,
      %slice3A_67 = vector.extract_strided_slice %mul3A_20 {offsets = [5], sizes = [1], strides = [1]} : vector<16xf32> to vector<1xf32>
      %squeeze3A_68 = vector.extract %slice3A_67[0] : f32 from vector<1xf32>
      %mul3A_69 = vector.broadcast %squeeze3A_68 : f32 to vector<16xf32>
      %mul3A_70 = arith.mulf %mul3A_69, %gather3A_66 : vector<16xf32>
      %add3A_71 = arith.addf %add3A_62, %mul3A_70 : vector<16xf32>
      %add3A_72 = arith.constant 6 : i32
      %add3A_73 = vector.broadcast %add3A_72 : i32 to vector<16xi32>
      %add3A_74 = arith.addi %mul3A_8, %add3A_73 : vector<16xi32>
      %gather3A_75 = tpu.vector_load_idx %arg7[%add3A_74] : memref<2048xf32, #tpu.memory_space<vmem>>[vector<16xi32>], vector<16xf32>,
      %slice3A_76 = vector.extract_strided_slice %mul3A_20 {offsets = [6], sizes = [1], strides = [1]} : vector<16xf32> to vector<1xf32>
      %squeeze3A_77 = vector.extract %slice3A_76[0] : f32 from vector<1xf32>
      %mul3A_78 = vector.broadcast %squeeze3A_77 : f32 to vector<16xf32>
      %mul3A_79 = arith.mulf %mul3A_78, %gather3A_75 : vector<16xf32>
      %add3A_80 = arith.addf %add3A_71, %mul3A_79 : vector<16xf32>
      %add3A_81 = arith.constant 7 : i32
      %add3A_82 = vector.broadcast %add3A_81 : i32 to vector<16xi32>
      %add3A_83 = arith.addi %mul3A_8, %add3A_82 : vector<16xi32>
      %gather3A_84 = tpu.vector_load_idx %arg7[%add3A_83] : memref<2048xf32, #tpu.memory_space<vmem>>[vector<16xi32>], vector<16xf32>,
      %slice3A_85 = vector.extract_strided_slice %mul3A_20 {offsets = [7], sizes = [1], strides = [1]} : vector<16xf32> to vector<1xf32>
      %squeeze3A_86 = vector.extract %slice3A_85[0] : f32 from vector<1xf32>
      %mul3A_87 = vector.broadcast %squeeze3A_86 : f32 to vector<16xf32>
      %mul3A_88 = arith.mulf %mul3A_87, %gather3A_84 : vector<16xf32>
      %add3A_89 = arith.addf %add3A_80, %mul3A_88 : vector<16xf32>
      %add3A_90 = arith.constant 8 : i32
      %add3A_91 = vector.broadcast %add3A_90 : i32 to vector<16xi32>
      %add3A_92 = arith.addi %mul3A_8, %add3A_91 : vector<16xi32>
      %gather3A_93 = tpu.vector_load_idx %arg7[%add3A_92] : memref<2048xf32, #tpu.memory_space<vmem>>[vector<16xi32>], vector<16xf32>,
      %slice3A_94 = vector.extract_strided_slice %mul3A_20 {offsets = [8], sizes = [1], strides = [1]} : vector<16xf32> to vector<1xf32>
      %squeeze3A_95 = vector.extract %slice3A_94[0] : f32 from vector<1xf32>
      %mul3A_96 = vector.broadcast %squeeze3A_95 : f32 to vector<16xf32>
      %mul3A_97 = arith.mulf %mul3A_96, %gather3A_93 : vector<16xf32>
      %add3A_98 = arith.addf %add3A_89, %mul3A_97 : vector<16xf32>
      %add3A_99 = arith.constant 9 : i32
      %add3A_100 = vector.broadcast %add3A_99 : i32 to vector<16xi32>
      %add3A_101 = arith.addi %mul3A_8, %add3A_100 : vector<16xi32>
      %gather3A_102 = tpu.vector_load_idx %arg7[%add3A_101] : memref<2048xf32, #tpu.memory_space<vmem>>[vector<16xi32>], vector<16xf32>,
      %slice3A_103 = vector.extract_strided_slice %mul3A_20 {offsets = [9], sizes = [1], strides = [1]} : vector<16xf32> to vector<1xf32>
      %squeeze3A_104 = vector.extract %slice3A_103[0] : f32 from vector<1xf32>
      %mul3A_105 = vector.broadcast %squeeze3A_104 : f32 to vector<16xf32>
      %mul3A_106 = arith.mulf %mul3A_105, %gather3A_102 : vector<16xf32>
      %add3A_107 = arith.addf %add3A_98, %mul3A_106 : vector<16xf32>
      %add3A_108 = arith.constant 10 : i32
      %add3A_109 = vector.broadcast %add3A_108 : i32 to vector<16xi32>
      %add3A_110 = arith.addi %mul3A_8, %add3A_109 : vector<16xi32>
      %gather3A_111 = tpu.vector_load_idx %arg7[%add3A_110] : memref<2048xf32, #tpu.memory_space<vmem>>[vector<16xi32>], vector<16xf32>,
      %slice3A_112 = vector.extract_strided_slice %mul3A_20 {offsets = [10], sizes = [1], strides = [1]} : vector<16xf32> to vector<1xf32>
      %squeeze3A_113 = vector.extract %slice3A_112[0] : f32 from vector<1xf32>
      %mul3A_114 = vector.broadcast %squeeze3A_113 : f32 to vector<16xf32>
      %mul3A_115 = arith.mulf %mul3A_114, %gather3A_111 : vector<16xf32>
      %add3A_116 = arith.addf %add3A_107, %mul3A_115 : vector<16xf32>
      %add3A_117 = arith.constant 11 : i32
      %add3A_118 = vector.broadcast %add3A_117 : i32 to vector<16xi32>
      %add3A_119 = arith.addi %mul3A_8, %add3A_118 : vector<16xi32>
      %gather3A_120 = tpu.vector_load_idx %arg7[%add3A_119] : memref<2048xf32, #tpu.memory_space<vmem>>[vector<16xi32>], vector<16xf32>,
      %slice3A_121 = vector.extract_strided_slice %mul3A_20 {offsets = [11], sizes = [1], strides = [1]} : vector<16xf32> to vector<1xf32>
      %squeeze3A_122 = vector.extract %slice3A_121[0] : f32 from vector<1xf32>
      %mul3A_123 = vector.broadcast %squeeze3A_122 : f32 to vector<16xf32>
      %mul3A_124 = arith.mulf %mul3A_123, %gather3A_120 : vector<16xf32>
      %add3A_125 = arith.addf %add3A_116, %mul3A_124 : vector<16xf32>
      %add3A_126 = arith.constant 12 : i32
      %add3A_127 = vector.broadcast %add3A_126 : i32 to vector<16xi32>
      %add3A_128 = arith.addi %mul3A_8, %add3A_127 : vector<16xi32>
      %gather3A_129 = tpu.vector_load_idx %arg7[%add3A_128] : memref<2048xf32, #tpu.memory_space<vmem>>[vector<16xi32>], vector<16xf32>,
      %slice3A_130 = vector.extract_strided_slice %mul3A_20 {offsets = [12], sizes = [1], strides = [1]} : vector<16xf32> to vector<1xf32>
      %squeeze3A_131 = vector.extract %slice3A_130[0] : f32 from vector<1xf32>
      %mul3A_132 = vector.broadcast %squeeze3A_131 : f32 to vector<16xf32>
      %mul3A_133 = arith.mulf %mul3A_132, %gather3A_129 : vector<16xf32>
      %add3A_134 = arith.addf %add3A_125, %mul3A_133 : vector<16xf32>
      %add3A_135 = arith.constant 13 : i32
      %add3A_136 = vector.broadcast %add3A_135 : i32 to vector<16xi32>
      %add3A_137 = arith.addi %mul3A_8, %add3A_136 : vector<16xi32>
      %gather3A_138 = tpu.vector_load_idx %arg7[%add3A_137] : memref<2048xf32, #tpu.memory_space<vmem>>[vector<16xi32>], vector<16xf32>,
      %slice3A_139 = vector.extract_strided_slice %mul3A_20 {offsets = [13], sizes = [1], strides = [1]} : vector<16xf32> to vector<1xf32>
      %squeeze3A_140 = vector.extract %slice3A_139[0] : f32 from vector<1xf32>
      %mul3A_141 = vector.broadcast %squeeze3A_140 : f32 to vector<16xf32>
      %mul3A_142 = arith.mulf %mul3A_141, %gather3A_138 : vector<16xf32>
      %add3A_143 = arith.addf %add3A_134, %mul3A_142 : vector<16xf32>
      %add3A_144 = arith.constant 14 : i32
      %add3A_145 = vector.broadcast %add3A_144 : i32 to vector<16xi32>
      %add3A_146 = arith.addi %mul3A_8, %add3A_145 : vector<16xi32>
      %gather3A_147 = tpu.vector_load_idx %arg7[%add3A_146] : memref<2048xf32, #tpu.memory_space<vmem>>[vector<16xi32>], vector<16xf32>,
      %slice3A_148 = vector.extract_strided_slice %mul3A_20 {offsets = [14], sizes = [1], strides = [1]} : vector<16xf32> to vector<1xf32>
      %squeeze3A_149 = vector.extract %slice3A_148[0] : f32 from vector<1xf32>
      %mul3A_150 = vector.broadcast %squeeze3A_149 : f32 to vector<16xf32>
      %mul3A_151 = arith.mulf %mul3A_150, %gather3A_147 : vector<16xf32>
      %add3A_152 = arith.addf %add3A_143, %mul3A_151 : vector<16xf32>
      %add3A_153 = arith.constant 15 : i32
      %add3A_154 = vector.broadcast %add3A_153 : i32 to vector<16xi32>
      %add3A_155 = arith.addi %mul3A_8, %add3A_154 : vector<16xi32>
      %gather3A_156 = tpu.vector_load_idx %arg7[%add3A_155] : memref<2048xf32, #tpu.memory_space<vmem>>[vector<16xi32>], vector<16xf32>,
      %slice3A_157 = vector.extract_strided_slice %mul3A_20 {offsets = [15], sizes = [1], strides = [1]} : vector<16xf32> to vector<1xf32>
      %squeeze3A_158 = vector.extract %slice3A_157[0] : f32 from vector<1xf32>
      %mul3A_159 = vector.broadcast %squeeze3A_158 : f32 to vector<16xf32>
      %mul3A_160 = arith.mulf %mul3A_159, %gather3A_156 : vector<16xf32>
      %add3A_161 = arith.addf %add3A_152, %mul3A_160 : vector<16xf32>
      %get3A_162 = arith.constant 0 : i32
      %get3A_163 = arith.index_cast %get3A_162 : i32 to index
      %get3A_164 = arith.constant 16 : index
      %get3A_165 = tpu.vector_load %arg6[%get3A_163, %get3A_164] {strides = array<i32>} : memref<2x128xf32, #tpu.memory_space<vmem>>, vector<16xf32>,
      %get3A_166 = arith.constant 1 : i32
      %get3A_167 = arith.index_cast %get3A_166 : i32 to index
      %get3A_168 = arith.constant 16 : index
      %get3A_169 = tpu.vector_load %arg6[%get3A_167, %get3A_168] {strides = array<i32>} : memref<2x128xf32, #tpu.memory_space<vmem>>, vector<16xf32>,
      %add3A_170 = arith.addf %get3A_165, %get3A_169 : vector<16xf32>
      %mul3A_171 = arith.constant 5.000000e-01 : f32
      %mul3A_172 = vector.broadcast %mul3A_171 : f32 to vector<16xf32>
      %mul3A_173 = arith.mulf %add3A_170, %mul3A_172 : vector<16xf32>
      %add3A_174 = arith.constant 16 : i32
      %add3A_175 = vector.broadcast %add3A_174 : i32 to vector<16xi32>
      %add3A_176 = arith.addi %mul3A_8, %add3A_175 : vector<16xi32>
      %gather3A_177 = tpu.vector_load_idx %arg7[%add3A_176] : memref<2048xf32, #tpu.memory_space<vmem>>[vector<16xi32>], vector<16xf32>,
      %slice3A_178 = vector.extract_strided_slice %mul3A_173 {offsets = [0], sizes = [1], strides = [1]} : vector<16xf32> to vector<1xf32>
      %squeeze3A_179 = vector.extract %slice3A_178[0] : f32 from vector<1xf32>
      %mul3A_180 = vector.broadcast %squeeze3A_179 : f32 to vector<16xf32>
      %mul3A_181 = arith.mulf %mul3A_180, %gather3A_177 : vector<16xf32>
      %add3A_182 = arith.addf %add3A_161, %mul3A_181 : vector<16xf32>
      %add3A_183 = arith.constant 17 : i32
      %add3A_184 = vector.broadcast %add3A_183 : i32 to vector<16xi32>
      %add3A_185 = arith.addi %mul3A_8, %add3A_184 : vector<16xi32>
      %gather3A_186 = tpu.vector_load_idx %arg7[%add3A_185] : memref<2048xf32, #tpu.memory_space<vmem>>[vector<16xi32>], vector<16xf32>,
      %slice3A_187 = vector.extract_strided_slice %mul3A_173 {offsets = [1], sizes = [1], strides = [1]} : vector<16xf32> to vector<1xf32>
      %squeeze3A_188 = vector.extract %slice3A_187[0] : f32 from vector<1xf32>
      %mul3A_189 = vector.broadcast %squeeze3A_188 : f32 to vector<16xf32>
      %mul3A_190 = arith.mulf %mul3A_189, %gather3A_186 : vector<16xf32>
      %add3A_191 = arith.addf %add3A_182, %mul3A_190 : vector<16xf32>
      %add3A_192 = arith.constant 18 : i32
      %add3A_193 = vector.broadcast %add3A_192 : i32 to vector<16xi32>
      %add3A_194 = arith.addi %mul3A_8, %add3A_193 : vector<16xi32>
      %gather3A_195 = tpu.vector_load_idx %arg7[%add3A_194] : memref<2048xf32, #tpu.memory_space<vmem>>[vector<16xi32>], vector<16xf32>,
      %slice3A_196 = vector.extract_strided_slice %mul3A_173 {offsets = [2], sizes = [1], strides = [1]} : vector<16xf32> to vector<1xf32>
      %squeeze3A_197 = vector.extract %slice3A_196[0] : f32 from vector<1xf32>
      %mul3A_198 = vector.broadcast %squeeze3A_197 : f32 to vector<16xf32>
      %mul3A_199 = arith.mulf %mul3A_198, %gather3A_195 : vector<16xf32>
      %add3A_200 = arith.addf %add3A_191, %mul3A_199 : vector<16xf32>
      %add3A_201 = arith.constant 19 : i32
      %add3A_202 = vector.broadcast %add3A_201 : i32 to vector<16xi32>
      %add3A_203 = arith.addi %mul3A_8, %add3A_202 : vector<16xi32>
      %gather3A_204 = tpu.vector_load_idx %arg7[%add3A_203] : memref<2048xf32, #tpu.memory_space<vmem>>[vector<16xi32>], vector<16xf32>,
      %slice3A_205 = vector.extract_strided_slice %mul3A_173 {offsets = [3], sizes = [1], strides = [1]} : vector<16xf32> to vector<1xf32>
      %squeeze3A_206 = vector.extract %slice3A_205[0] : f32 from vector<1xf32>
      %mul3A_207 = vector.broadcast %squeeze3A_206 : f32 to vector<16xf32>
      %mul3A_208 = arith.mulf %mul3A_207, %gather3A_204 : vector<16xf32>
      %add3A_209 = arith.addf %add3A_200, %mul3A_208 : vector<16xf32>
      %add3A_210 = arith.constant 20 : i32
      %add3A_211 = vector.broadcast %add3A_210 : i32 to vector<16xi32>
      %add3A_212 = arith.addi %mul3A_8, %add3A_211 : vector<16xi32>
      %gather3A_213 = tpu.vector_load_idx %arg7[%add3A_212] : memref<2048xf32, #tpu.memory_space<vmem>>[vector<16xi32>], vector<16xf32>,
      %slice3A_214 = vector.extract_strided_slice %mul3A_173 {offsets = [4], sizes = [1], strides = [1]} : vector<16xf32> to vector<1xf32>
      %squeeze3A_215 = vector.extract %slice3A_214[0] : f32 from vector<1xf32>
      %mul3A_216 = vector.broadcast %squeeze3A_215 : f32 to vector<16xf32>
      %mul3A_217 = arith.mulf %mul3A_216, %gather3A_213 : vector<16xf32>
      %add3A_218 = arith.addf %add3A_209, %mul3A_217 : vector<16xf32>
      %add3A_219 = arith.constant 21 : i32
      %add3A_220 = vector.broadcast %add3A_219 : i32 to vector<16xi32>
      %add3A_221 = arith.addi %mul3A_8, %add3A_220 : vector<16xi32>
      %gather3A_222 = tpu.vector_load_idx %arg7[%add3A_221] : memref<2048xf32, #tpu.memory_space<vmem>>[vector<16xi32>], vector<16xf32>,
      %slice3A_223 = vector.extract_strided_slice %mul3A_173 {offsets = [5], sizes = [1], strides = [1]} : vector<16xf32> to vector<1xf32>
      %squeeze3A_224 = vector.extract %slice3A_223[0] : f32 from vector<1xf32>
      %mul3A_225 = vector.broadcast %squeeze3A_224 : f32 to vector<16xf32>
      %mul3A_226 = arith.mulf %mul3A_225, %gather3A_222 : vector<16xf32>
      %add3A_227 = arith.addf %add3A_218, %mul3A_226 : vector<16xf32>
      %add3A_228 = arith.constant 22 : i32
      %add3A_229 = vector.broadcast %add3A_228 : i32 to vector<16xi32>
      %add3A_230 = arith.addi %mul3A_8, %add3A_229 : vector<16xi32>
      %gather3A_231 = tpu.vector_load_idx %arg7[%add3A_230] : memref<2048xf32, #tpu.memory_space<vmem>>[vector<16xi32>], vector<16xf32>,
      %slice3A_232 = vector.extract_strided_slice %mul3A_173 {offsets = [6], sizes = [1], strides = [1]} : vector<16xf32> to vector<1xf32>
      %squeeze3A_233 = vector.extract %slice3A_232[0] : f32 from vector<1xf32>
      %mul3A_234 = vector.broadcast %squeeze3A_233 : f32 to vector<16xf32>
      %mul3A_235 = arith.mulf %mul3A_234, %gather3A_231 : vector<16xf32>
      %add3A_236 = arith.addf %add3A_227, %mul3A_235 : vector<16xf32>
      %add3A_237 = arith.constant 23 : i32
      %add3A_238 = vector.broadcast %add3A_237 : i32 to vector<16xi32>
      %add3A_239 = arith.addi %mul3A_8, %add3A_238 : vector<16xi32>
      %gather3A_240 = tpu.vector_load_idx %arg7[%add3A_239] : memref<2048xf32, #tpu.memory_space<vmem>>[vector<16xi32>], vector<16xf32>,
      %slice3A_241 = vector.extract_strided_slice %mul3A_173 {offsets = [7], sizes = [1], strides = [1]} : vector<16xf32> to vector<1xf32>
      %squeeze3A_242 = vector.extract %slice3A_241[0] : f32 from vector<1xf32>
      %mul3A_243 = vector.broadcast %squeeze3A_242 : f32 to vector<16xf32>
      %mul3A_244 = arith.mulf %mul3A_243, %gather3A_240 : vector<16xf32>
      %add3A_245 = arith.addf %add3A_236, %mul3A_244 : vector<16xf32>
      %add3A_246 = arith.constant 24 : i32
      %add3A_247 = vector.broadcast %add3A_246 : i32 to vector<16xi32>
      %add3A_248 = arith.addi %mul3A_8, %add3A_247 : vector<16xi32>
      %gather3A_249 = tpu.vector_load_idx %arg7[%add3A_248] : memref<2048xf32, #tpu.memory_space<vmem>>[vector<16xi32>], vector<16xf32>,
      %slice3A_250 = vector.extract_strided_slice %mul3A_173 {offsets = [8], sizes = [1], strides = [1]} : vector<16xf32> to vector<1xf32>
      %squeeze3A_251 = vector.extract %slice3A_250[0] : f32 from vector<1xf32>
      %mul3A_252 = vector.broadcast %squeeze3A_251 : f32 to vector<16xf32>
      %mul3A_253 = arith.mulf %mul3A_252, %gather3A_249 : vector<16xf32>
      %add3A_254 = arith.addf %add3A_245, %mul3A_253 : vector<16xf32>
      %add3A_255 = arith.constant 25 : i32
      %add3A_256 = vector.broadcast %add3A_255 : i32 to vector<16xi32>
      %add3A_257 = arith.addi %mul3A_8, %add3A_256 : vector<16xi32>
      %gather3A_258 = tpu.vector_load_idx %arg7[%add3A_257] : memref<2048xf32, #tpu.memory_space<vmem>>[vector<16xi32>], vector<16xf32>,
      %slice3A_259 = vector.extract_strided_slice %mul3A_173 {offsets = [9], sizes = [1], strides = [1]} : vector<16xf32> to vector<1xf32>
      %squeeze3A_260 = vector.extract %slice3A_259[0] : f32 from vector<1xf32>
      %mul3A_261 = vector.broadcast %squeeze3A_260 : f32 to vector<16xf32>
      %mul3A_262 = arith.mulf %mul3A_261, %gather3A_258 : vector<16xf32>
      %add3A_263 = arith.addf %add3A_254, %mul3A_262 : vector<16xf32>
      %add3A_264 = arith.constant 26 : i32
      %add3A_265 = vector.broadcast %add3A_264 : i32 to vector<16xi32>
      %add3A_266 = arith.addi %mul3A_8, %add3A_265 : vector<16xi32>
      %gather3A_267 = tpu.vector_load_idx %arg7[%add3A_266] : memref<2048xf32, #tpu.memory_space<vmem>>[vector<16xi32>], vector<16xf32>,
      %slice3A_268 = vector.extract_strided_slice %mul3A_173 {offsets = [10], sizes = [1], strides = [1]} : vector<16xf32> to vector<1xf32>
      %squeeze3A_269 = vector.extract %slice3A_268[0] : f32 from vector<1xf32>
      %mul3A_270 = vector.broadcast %squeeze3A_269 : f32 to vector<16xf32>
      %mul3A_271 = arith.mulf %mul3A_270, %gather3A_267 : vector<16xf32>
      %add3A_272 = arith.addf %add3A_263, %mul3A_271 : vector<16xf32>
      %add3A_273 = arith.constant 27 : i32
      %add3A_274 = vector.broadcast %add3A_273 : i32 to vector<16xi32>
      %add3A_275 = arith.addi %mul3A_8, %add3A_274 : vector<16xi32>
      %gather3A_276 = tpu.vector_load_idx %arg7[%add3A_275] : memref<2048xf32, #tpu.memory_space<vmem>>[vector<16xi32>], vector<16xf32>,
      %slice3A_277 = vector.extract_strided_slice %mul3A_173 {offsets = [11], sizes = [1], strides = [1]} : vector<16xf32> to vector<1xf32>
      %squeeze3A_278 = vector.extract %slice3A_277[0] : f32 from vector<1xf32>
      %mul3A_279 = vector.broadcast %squeeze3A_278 : f32 to vector<16xf32>
      %mul3A_280 = arith.mulf %mul3A_279, %gather3A_276 : vector<16xf32>
      %add3A_281 = arith.addf %add3A_272, %mul3A_280 : vector<16xf32>
      %add3A_282 = arith.constant 28 : i32
      %add3A_283 = vector.broadcast %add3A_282 : i32 to vector<16xi32>
      %add3A_284 = arith.addi %mul3A_8, %add3A_283 : vector<16xi32>
      %gather3A_285 = tpu.vector_load_idx %arg7[%add3A_284] : memref<2048xf32, #tpu.memory_space<vmem>>[vector<16xi32>], vector<16xf32>,
      %slice3A_286 = vector.extract_strided_slice %mul3A_173 {offsets = [12], sizes = [1], strides = [1]} : vector<16xf32> to vector<1xf32>
      %squeeze3A_287 = vector.extract %slice3A_286[0] : f32 from vector<1xf32>
      %mul3A_288 = vector.broadcast %squeeze3A_287 : f32 to vector<16xf32>
      %mul3A_289 = arith.mulf %mul3A_288, %gather3A_285 : vector<16xf32>
      %add3A_290 = arith.addf %add3A_281, %mul3A_289 : vector<16xf32>
      %add3A_291 = arith.constant 29 : i32
      %add3A_292 = vector.broadcast %add3A_291 : i32 to vector<16xi32>
      %add3A_293 = arith.addi %mul3A_8, %add3A_292 : vector<16xi32>
      %gather3A_294 = tpu.vector_load_idx %arg7[%add3A_293] : memref<2048xf32, #tpu.memory_space<vmem>>[vector<16xi32>], vector<16xf32>,
      %slice3A_295 = vector.extract_strided_slice %mul3A_173 {offsets = [13], sizes = [1], strides = [1]} : vector<16xf32> to vector<1xf32>
      %squeeze3A_296 = vector.extract %slice3A_295[0] : f32 from vector<1xf32>
      %mul3A_297 = vector.broadcast %squeeze3A_296 : f32 to vector<16xf32>
      %mul3A_298 = arith.mulf %mul3A_297, %gather3A_294 : vector<16xf32>
      %add3A_299 = arith.addf %add3A_290, %mul3A_298 : vector<16xf32>
      %add3A_300 = arith.constant 30 : i32
      %add3A_301 = vector.broadcast %add3A_300 : i32 to vector<16xi32>
      %add3A_302 = arith.addi %mul3A_8, %add3A_301 : vector<16xi32>
      %gather3A_303 = tpu.vector_load_idx %arg7[%add3A_302] : memref<2048xf32, #tpu.memory_space<vmem>>[vector<16xi32>], vector<16xf32>,
      %slice3A_304 = vector.extract_strided_slice %mul3A_173 {offsets = [14], sizes = [1], strides = [1]} : vector<16xf32> to vector<1xf32>
      %squeeze3A_305 = vector.extract %slice3A_304[0] : f32 from vector<1xf32>
      %mul3A_306 = vector.broadcast %squeeze3A_305 : f32 to vector<16xf32>
      %mul3A_307 = arith.mulf %mul3A_306, %gather3A_303 : vector<16xf32>
      %add3A_308 = arith.addf %add3A_299, %mul3A_307 : vector<16xf32>
      %add3A_309 = arith.constant 31 : i32
      %add3A_310 = vector.broadcast %add3A_309 : i32 to vector<16xi32>
      %add3A_311 = arith.addi %mul3A_8, %add3A_310 : vector<16xi32>
      %gather3A_312 = tpu.vector_load_idx %arg7[%add3A_311] : memref<2048xf32, #tpu.memory_space<vmem>>[vector<16xi32>], vector<16xf32>,
      %slice3A_313 = vector.extract_strided_slice %mul3A_173 {offsets = [15], sizes = [1], strides = [1]} : vector<16xf32> to vector<1xf32>
      %squeeze3A_314 = vector.extract %slice3A_313[0] : f32 from vector<1xf32>
      %mul3A_315 = vector.broadcast %squeeze3A_314 : f32 to vector<16xf32>
      %mul3A_316 = arith.mulf %mul3A_315, %gather3A_312 : vector<16xf32>
      %add3A_317 = arith.addf %add3A_308, %mul3A_316 : vector<16xf32>
      %get3A_318 = arith.constant 0 : i32
      %get3A_319 = arith.index_cast %get3A_318 : i32 to index
      %get3A_320 = arith.constant 32 : index
      %get3A_321 = tpu.vector_load %arg6[%get3A_319, %get3A_320] {strides = array<i32>} : memref<2x128xf32, #tpu.memory_space<vmem>>, vector<16xf32>,
      %get3A_322 = arith.constant 1 : i32
      %get3A_323 = arith.index_cast %get3A_322 : i32 to index
      %get3A_324 = arith.constant 32 : index
      %get3A_325 = tpu.vector_load %arg6[%get3A_323, %get3A_324] {strides = array<i32>} : memref<2x128xf32, #tpu.memory_space<vmem>>, vector<16xf32>,
      %add3A_326 = arith.addf %get3A_321, %get3A_325 : vector<16xf32>
      %mul3A_327 = arith.constant 5.000000e-01 : f32
      %mul3A_328 = vector.broadcast %mul3A_327 : f32 to vector<16xf32>
      %mul3A_329 = arith.mulf %add3A_326, %mul3A_328 : vector<16xf32>
      %add3A_330 = arith.constant 32 : i32
      %add3A_331 = vector.broadcast %add3A_330 : i32 to vector<16xi32>
      %add3A_332 = arith.addi %mul3A_8, %add3A_331 : vector<16xi32>
      %gather3A_333 = tpu.vector_load_idx %arg7[%add3A_332] : memref<2048xf32, #tpu.memory_space<vmem>>[vector<16xi32>], vector<16xf32>,
      %slice3A_334 = vector.extract_strided_slice %mul3A_329 {offsets = [0], sizes = [1], strides = [1]} : vector<16xf32> to vector<1xf32>
      %squeeze3A_335 = vector.extract %slice3A_334[0] : f32 from vector<1xf32>
      %mul3A_336 = vector.broadcast %squeeze3A_335 : f32 to vector<16xf32>
      %mul3A_337 = arith.mulf %mul3A_336, %gather3A_333 : vector<16xf32>
      %add3A_338 = arith.addf %add3A_317, %mul3A_337 : vector<16xf32>
      %add3A_339 = arith.constant 33 : i32
      %add3A_340 = vector.broadcast %add3A_339 : i32 to vector<16xi32>
      %add3A_341 = arith.addi %mul3A_8, %add3A_340 : vector<16xi32>
      %gather3A_342 = tpu.vector_load_idx %arg7[%add3A_341] : memref<2048xf32, #tpu.memory_space<vmem>>[vector<16xi32>], vector<16xf32>,
      %slice3A_343 = vector.extract_strided_slice %mul3A_329 {offsets = [1], sizes = [1], strides = [1]} : vector<16xf32> to vector<1xf32>
      %squeeze3A_344 = vector.extract %slice3A_343[0] : f32 from vector<1xf32>
      %mul3A_345 = vector.broadcast %squeeze3A_344 : f32 to vector<16xf32>
      %mul3A_346 = arith.mulf %mul3A_345, %gather3A_342 : vector<16xf32>
      %add3A_347 = arith.addf %add3A_338, %mul3A_346 : vector<16xf32>
      %add3A_348 = arith.constant 34 : i32
      %add3A_349 = vector.broadcast %add3A_348 : i32 to vector<16xi32>
      %add3A_350 = arith.addi %mul3A_8, %add3A_349 : vector<16xi32>
      %gather3A_351 = tpu.vector_load_idx %arg7[%add3A_350] : memref<2048xf32, #tpu.memory_space<vmem>>[vector<16xi32>], vector<16xf32>,
      %slice3A_352 = vector.extract_strided_slice %mul3A_329 {offsets = [2], sizes = [1], strides = [1]} : vector<16xf32> to vector<1xf32>
      %squeeze3A_353 = vector.extract %slice3A_352[0] : f32 from vector<1xf32>
      %mul3A_354 = vector.broadcast %squeeze3A_353 : f32 to vector<16xf32>
      %mul3A_355 = arith.mulf %mul3A_354, %gather3A_351 : vector<16xf32>
      %add3A_356 = arith.addf %add3A_347, %mul3A_355 : vector<16xf32>
      %add3A_357 = arith.constant 35 : i32
      %add3A_358 = vector.broadcast %add3A_357 : i32 to vector<16xi32>
      %add3A_359 = arith.addi %mul3A_8, %add3A_358 : vector<16xi32>
      %gather3A_360 = tpu.vector_load_idx %arg7[%add3A_359] : memref<2048xf32, #tpu.memory_space<vmem>>[vector<16xi32>], vector<16xf32>,
      %slice3A_361 = vector.extract_strided_slice %mul3A_329 {offsets = [3], sizes = [1], strides = [1]} : vector<16xf32> to vector<1xf32>
      %squeeze3A_362 = vector.extract %slice3A_361[0] : f32 from vector<1xf32>
      %mul3A_363 = vector.broadcast %squeeze3A_362 : f32 to vector<16xf32>
      %mul3A_364 = arith.mulf %mul3A_363, %gather3A_360 : vector<16xf32>
      %add3A_365 = arith.addf %add3A_356, %mul3A_364 : vector<16xf32>
      %add3A_366 = arith.constant 36 : i32
      %add3A_367 = vector.broadcast %add3A_366 : i32 to vector<16xi32>
      %add3A_368 = arith.addi %mul3A_8, %add3A_367 : vector<16xi32>
      %gather3A_369 = tpu.vector_load_idx %arg7[%add3A_368] : memref<2048xf32, #tpu.memory_space<vmem>>[vector<16xi32>], vector<16xf32>,
      %slice3A_370 = vector.extract_strided_slice %mul3A_329 {offsets = [4], sizes = [1], strides = [1]} : vector<16xf32> to vector<1xf32>
      %squeeze3A_371 = vector.extract %slice3A_370[0] : f32 from vector<1xf32>
      %mul3A_372 = vector.broadcast %squeeze3A_371 : f32 to vector<16xf32>
      %mul3A_373 = arith.mulf %mul3A_372, %gather3A_369 : vector<16xf32>
      %add3A_374 = arith.addf %add3A_365, %mul3A_373 : vector<16xf32>
      %add3A_375 = arith.constant 37 : i32
      %add3A_376 = vector.broadcast %add3A_375 : i32 to vector<16xi32>
      %add3A_377 = arith.addi %mul3A_8, %add3A_376 : vector<16xi32>
      %gather3A_378 = tpu.vector_load_idx %arg7[%add3A_377] : memref<2048xf32, #tpu.memory_space<vmem>>[vector<16xi32>], vector<16xf32>,
      %slice3A_379 = vector.extract_strided_slice %mul3A_329 {offsets = [5], sizes = [1], strides = [1]} : vector<16xf32> to vector<1xf32>
      %squeeze3A_380 = vector.extract %slice3A_379[0] : f32 from vector<1xf32>
      %mul3A_381 = vector.broadcast %squeeze3A_380 : f32 to vector<16xf32>
      %mul3A_382 = arith.mulf %mul3A_381, %gather3A_378 : vector<16xf32>
      %add3A_383 = arith.addf %add3A_374, %mul3A_382 : vector<16xf32>
      %add3A_384 = arith.constant 38 : i32
      %add3A_385 = vector.broadcast %add3A_384 : i32 to vector<16xi32>
      %add3A_386 = arith.addi %mul3A_8, %add3A_385 : vector<16xi32>
      %gather3A_387 = tpu.vector_load_idx %arg7[%add3A_386] : memref<2048xf32, #tpu.memory_space<vmem>>[vector<16xi32>], vector<16xf32>,
      %slice3A_388 = vector.extract_strided_slice %mul3A_329 {offsets = [6], sizes = [1], strides = [1]} : vector<16xf32> to vector<1xf32>
      %squeeze3A_389 = vector.extract %slice3A_388[0] : f32 from vector<1xf32>
      %mul3A_390 = vector.broadcast %squeeze3A_389 : f32 to vector<16xf32>
      %mul3A_391 = arith.mulf %mul3A_390, %gather3A_387 : vector<16xf32>
      %add3A_392 = arith.addf %add3A_383, %mul3A_391 : vector<16xf32>
      %add3A_393 = arith.constant 39 : i32
      %add3A_394 = vector.broadcast %add3A_393 : i32 to vector<16xi32>
      %add3A_395 = arith.addi %mul3A_8, %add3A_394 : vector<16xi32>
      %gather3A_396 = tpu.vector_load_idx %arg7[%add3A_395] : memref<2048xf32, #tpu.memory_space<vmem>>[vector<16xi32>], vector<16xf32>,
      %slice3A_397 = vector.extract_strided_slice %mul3A_329 {offsets = [7], sizes = [1], strides = [1]} : vector<16xf32> to vector<1xf32>
      %squeeze3A_398 = vector.extract %slice3A_397[0] : f32 from vector<1xf32>
      %mul3A_399 = vector.broadcast %squeeze3A_398 : f32 to vector<16xf32>
      %mul3A_400 = arith.mulf %mul3A_399, %gather3A_396 : vector<16xf32>
      %add3A_401 = arith.addf %add3A_392, %mul3A_400 : vector<16xf32>
      %add3A_402 = arith.constant 40 : i32
      %add3A_403 = vector.broadcast %add3A_402 : i32 to vector<16xi32>
      %add3A_404 = arith.addi %mul3A_8, %add3A_403 : vector<16xi32>
      %gather3A_405 = tpu.vector_load_idx %arg7[%add3A_404] : memref<2048xf32, #tpu.memory_space<vmem>>[vector<16xi32>], vector<16xf32>,
      %slice3A_406 = vector.extract_strided_slice %mul3A_329 {offsets = [8], sizes = [1], strides = [1]} : vector<16xf32> to vector<1xf32>
      %squeeze3A_407 = vector.extract %slice3A_406[0] : f32 from vector<1xf32>
      %mul3A_408 = vector.broadcast %squeeze3A_407 : f32 to vector<16xf32>
      %mul3A_409 = arith.mulf %mul3A_408, %gather3A_405 : vector<16xf32>
      %add3A_410 = arith.addf %add3A_401, %mul3A_409 : vector<16xf32>
      %add3A_411 = arith.constant 41 : i32
      %add3A_412 = vector.broadcast %add3A_411 : i32 to vector<16xi32>
      %add3A_413 = arith.addi %mul3A_8, %add3A_412 : vector<16xi32>
      %gather3A_414 = tpu.vector_load_idx %arg7[%add3A_413] : memref<2048xf32, #tpu.memory_space<vmem>>[vector<16xi32>], vector<16xf32>,
      %slice3A_415 = vector.extract_strided_slice %mul3A_329 {offsets = [9], sizes = [1], strides = [1]} : vector<16xf32> to vector<1xf32>
      %squeeze3A_416 = vector.extract %slice3A_415[0] : f32 from vector<1xf32>
      %mul3A_417 = vector.broadcast %squeeze3A_416 : f32 to vector<16xf32>
      %mul3A_418 = arith.mulf %mul3A_417, %gather3A_414 : vector<16xf32>
      %add3A_419 = arith.addf %add3A_410, %mul3A_418 : vector<16xf32>
      %add3A_420 = arith.constant 42 : i32
      %add3A_421 = vector.broadcast %add3A_420 : i32 to vector<16xi32>
      %add3A_422 = arith.addi %mul3A_8, %add3A_421 : vector<16xi32>
      %gather3A_423 = tpu.vector_load_idx %arg7[%add3A_422] : memref<2048xf32, #tpu.memory_space<vmem>>[vector<16xi32>], vector<16xf32>,
      %slice3A_424 = vector.extract_strided_slice %mul3A_329 {offsets = [10], sizes = [1], strides = [1]} : vector<16xf32> to vector<1xf32>
      %squeeze3A_425 = vector.extract %slice3A_424[0] : f32 from vector<1xf32>
      %mul3A_426 = vector.broadcast %squeeze3A_425 : f32 to vector<16xf32>
      %mul3A_427 = arith.mulf %mul3A_426, %gather3A_423 : vector<16xf32>
      %add3A_428 = arith.addf %add3A_419, %mul3A_427 : vector<16xf32>
      %add3A_429 = arith.constant 43 : i32
      %add3A_430 = vector.broadcast %add3A_429 : i32 to vector<16xi32>
      %add3A_431 = arith.addi %mul3A_8, %add3A_430 : vector<16xi32>
      %gather3A_432 = tpu.vector_load_idx %arg7[%add3A_431] : memref<2048xf32, #tpu.memory_space<vmem>>[vector<16xi32>], vector<16xf32>,
      %slice3A_433 = vector.extract_strided_slice %mul3A_329 {offsets = [11], sizes = [1], strides = [1]} : vector<16xf32> to vector<1xf32>
      %squeeze3A_434 = vector.extract %slice3A_433[0] : f32 from vector<1xf32>
      %mul3A_435 = vector.broadcast %squeeze3A_434 : f32 to vector<16xf32>
      %mul3A_436 = arith.mulf %mul3A_435, %gather3A_432 : vector<16xf32>
      %add3A_437 = arith.addf %add3A_428, %mul3A_436 : vector<16xf32>
      %add3A_438 = arith.constant 44 : i32
      %add3A_439 = vector.broadcast %add3A_438 : i32 to vector<16xi32>
      %add3A_440 = arith.addi %mul3A_8, %add3A_439 : vector<16xi32>
      %gather3A_441 = tpu.vector_load_idx %arg7[%add3A_440] : memref<2048xf32, #tpu.memory_space<vmem>>[vector<16xi32>], vector<16xf32>,
      %slice3A_442 = vector.extract_strided_slice %mul3A_329 {offsets = [12], sizes = [1], strides = [1]} : vector<16xf32> to vector<1xf32>
      %squeeze3A_443 = vector.extract %slice3A_442[0] : f32 from vector<1xf32>
      %mul3A_444 = vector.broadcast %squeeze3A_443 : f32 to vector<16xf32>
      %mul3A_445 = arith.mulf %mul3A_444, %gather3A_441 : vector<16xf32>
      %add3A_446 = arith.addf %add3A_437, %mul3A_445 : vector<16xf32>
      %add3A_447 = arith.constant 45 : i32
      %add3A_448 = vector.broadcast %add3A_447 : i32 to vector<16xi32>
      %add3A_449 = arith.addi %mul3A_8, %add3A_448 : vector<16xi32>
      %gather3A_450 = tpu.vector_load_idx %arg7[%add3A_449] : memref<2048xf32, #tpu.memory_space<vmem>>[vector<16xi32>], vector<16xf32>,
      %slice3A_451 = vector.extract_strided_slice %mul3A_329 {offsets = [13], sizes = [1], strides = [1]} : vector<16xf32> to vector<1xf32>
      %squeeze3A_452 = vector.extract %slice3A_451[0] : f32 from vector<1xf32>
      %mul3A_453 = vector.broadcast %squeeze3A_452 : f32 to vector<16xf32>
      %mul3A_454 = arith.mulf %mul3A_453, %gather3A_450 : vector<16xf32>
      %add3A_455 = arith.addf %add3A_446, %mul3A_454 : vector<16xf32>
      %add3A_456 = arith.constant 46 : i32
      %add3A_457 = vector.broadcast %add3A_456 : i32 to vector<16xi32>
      %add3A_458 = arith.addi %mul3A_8, %add3A_457 : vector<16xi32>
      %gather3A_459 = tpu.vector_load_idx %arg7[%add3A_458] : memref<2048xf32, #tpu.memory_space<vmem>>[vector<16xi32>], vector<16xf32>,
      %slice3A_460 = vector.extract_strided_slice %mul3A_329 {offsets = [14], sizes = [1], strides = [1]} : vector<16xf32> to vector<1xf32>
      %squeeze3A_461 = vector.extract %slice3A_460[0] : f32 from vector<1xf32>
      %mul3A_462 = vector.broadcast %squeeze3A_461 : f32 to vector<16xf32>
      %mul3A_463 = arith.mulf %mul3A_462, %gather3A_459 : vector<16xf32>
      %add3A_464 = arith.addf %add3A_455, %mul3A_463 : vector<16xf32>
      %add3A_465 = arith.constant 47 : i32
      %add3A_466 = vector.broadcast %add3A_465 : i32 to vector<16xi32>
      %add3A_467 = arith.addi %mul3A_8, %add3A_466 : vector<16xi32>
      %gather3A_468 = tpu.vector_load_idx %arg7[%add3A_467] : memref<2048xf32, #tpu.memory_space<vmem>>[vector<16xi32>], vector<16xf32>,
      %slice3A_469 = vector.extract_strided_slice %mul3A_329 {offsets = [15], sizes = [1], strides = [1]} : vector<16xf32> to vector<1xf32>
      %squeeze3A_470 = vector.extract %slice3A_469[0] : f32 from vector<1xf32>
      %mul3A_471 = vector.broadcast %squeeze3A_470 : f32 to vector<16xf32>
      %mul3A_472 = arith.mulf %mul3A_471, %gather3A_468 : vector<16xf32>
      %add3A_473 = arith.addf %add3A_464, %mul3A_472 : vector<16xf32>
      %get3A_474 = arith.constant 0 : i32
      %get3A_475 = arith.index_cast %get3A_474 : i32 to index
      %get3A_476 = arith.constant 48 : index
      %get3A_477 = tpu.vector_load %arg6[%get3A_475, %get3A_476] {strides = array<i32>} : memref<2x128xf32, #tpu.memory_space<vmem>>, vector<16xf32>,
      %get3A_478 = arith.constant 1 : i32
      %get3A_479 = arith.index_cast %get3A_478 : i32 to index
      %get3A_480 = arith.constant 48 : index
      %get3A_481 = tpu.vector_load %arg6[%get3A_479, %get3A_480] {strides = array<i32>} : memref<2x128xf32, #tpu.memory_space<vmem>>, vector<16xf32>,
      %add3A_482 = arith.addf %get3A_477, %get3A_481 : vector<16xf32>
      %mul3A_483 = arith.constant 5.000000e-01 : f32
      %mul3A_484 = vector.broadcast %mul3A_483 : f32 to vector<16xf32>
      %mul3A_485 = arith.mulf %add3A_482, %mul3A_484 : vector<16xf32>
      %add3A_486 = arith.constant 48 : i32
      %add3A_487 = vector.broadcast %add3A_486 : i32 to vector<16xi32>
      %add3A_488 = arith.addi %mul3A_8, %add3A_487 : vector<16xi32>
      %gather3A_489 = tpu.vector_load_idx %arg7[%add3A_488] : memref<2048xf32, #tpu.memory_space<vmem>>[vector<16xi32>], vector<16xf32>,
      %slice3A_490 = vector.extract_strided_slice %mul3A_485 {offsets = [0], sizes = [1], strides = [1]} : vector<16xf32> to vector<1xf32>
      %squeeze3A_491 = vector.extract %slice3A_490[0] : f32 from vector<1xf32>
      %mul3A_492 = vector.broadcast %squeeze3A_491 : f32 to vector<16xf32>
      %mul3A_493 = arith.mulf %mul3A_492, %gather3A_489 : vector<16xf32>
      %add3A_494 = arith.addf %add3A_473, %mul3A_493 : vector<16xf32>
      %add3A_495 = arith.constant 49 : i32
      %add3A_496 = vector.broadcast %add3A_495 : i32 to vector<16xi32>
      %add3A_497 = arith.addi %mul3A_8, %add3A_496 : vector<16xi32>
      %gather3A_498 = tpu.vector_load_idx %arg7[%add3A_497] : memref<2048xf32, #tpu.memory_space<vmem>>[vector<16xi32>], vector<16xf32>,
      %slice3A_499 = vector.extract_strided_slice %mul3A_485 {offsets = [1], sizes = [1], strides = [1]} : vector<16xf32> to vector<1xf32>
      %squeeze3A_500 = vector.extract %slice3A_499[0] : f32 from vector<1xf32>
      %mul3A_501 = vector.broadcast %squeeze3A_500 : f32 to vector<16xf32>
      %mul3A_502 = arith.mulf %mul3A_501, %gather3A_498 : vector<16xf32>
      %add3A_503 = arith.addf %add3A_494, %mul3A_502 : vector<16xf32>
      %add3A_504 = arith.constant 50 : i32
      %add3A_505 = vector.broadcast %add3A_504 : i32 to vector<16xi32>
      %add3A_506 = arith.addi %mul3A_8, %add3A_505 : vector<16xi32>
      %gather3A_507 = tpu.vector_load_idx %arg7[%add3A_506] : memref<2048xf32, #tpu.memory_space<vmem>>[vector<16xi32>], vector<16xf32>,
      %slice3A_508 = vector.extract_strided_slice %mul3A_485 {offsets = [2], sizes = [1], strides = [1]} : vector<16xf32> to vector<1xf32>
      %squeeze3A_509 = vector.extract %slice3A_508[0] : f32 from vector<1xf32>
      %mul3A_510 = vector.broadcast %squeeze3A_509 : f32 to vector<16xf32>
      %mul3A_511 = arith.mulf %mul3A_510, %gather3A_507 : vector<16xf32>
      %add3A_512 = arith.addf %add3A_503, %mul3A_511 : vector<16xf32>
      %add3A_513 = arith.constant 51 : i32
      %add3A_514 = vector.broadcast %add3A_513 : i32 to vector<16xi32>
      %add3A_515 = arith.addi %mul3A_8, %add3A_514 : vector<16xi32>
      %gather3A_516 = tpu.vector_load_idx %arg7[%add3A_515] : memref<2048xf32, #tpu.memory_space<vmem>>[vector<16xi32>], vector<16xf32>,
      %slice3A_517 = vector.extract_strided_slice %mul3A_485 {offsets = [3], sizes = [1], strides = [1]} : vector<16xf32> to vector<1xf32>
      %squeeze3A_518 = vector.extract %slice3A_517[0] : f32 from vector<1xf32>
      %mul3A_519 = vector.broadcast %squeeze3A_518 : f32 to vector<16xf32>
      %mul3A_520 = arith.mulf %mul3A_519, %gather3A_516 : vector<16xf32>
      %add3A_521 = arith.addf %add3A_512, %mul3A_520 : vector<16xf32>
      %add3A_522 = arith.constant 52 : i32
      %add3A_523 = vector.broadcast %add3A_522 : i32 to vector<16xi32>
      %add3A_524 = arith.addi %mul3A_8, %add3A_523 : vector<16xi32>
      %gather3A_525 = tpu.vector_load_idx %arg7[%add3A_524] : memref<2048xf32, #tpu.memory_space<vmem>>[vector<16xi32>], vector<16xf32>,
      %slice3A_526 = vector.extract_strided_slice %mul3A_485 {offsets = [4], sizes = [1], strides = [1]} : vector<16xf32> to vector<1xf32>
      %squeeze3A_527 = vector.extract %slice3A_526[0] : f32 from vector<1xf32>
      %mul3A_528 = vector.broadcast %squeeze3A_527 : f32 to vector<16xf32>
      %mul3A_529 = arith.mulf %mul3A_528, %gather3A_525 : vector<16xf32>
      %add3A_530 = arith.addf %add3A_521, %mul3A_529 : vector<16xf32>
      %add3A_531 = arith.constant 53 : i32
      %add3A_532 = vector.broadcast %add3A_531 : i32 to vector<16xi32>
      %add3A_533 = arith.addi %mul3A_8, %add3A_532 : vector<16xi32>
      %gather3A_534 = tpu.vector_load_idx %arg7[%add3A_533] : memref<2048xf32, #tpu.memory_space<vmem>>[vector<16xi32>], vector<16xf32>,
      %slice3A_535 = vector.extract_strided_slice %mul3A_485 {offsets = [5], sizes = [1], strides = [1]} : vector<16xf32> to vector<1xf32>
      %squeeze3A_536 = vector.extract %slice3A_535[0] : f32 from vector<1xf32>
      %mul3A_537 = vector.broadcast %squeeze3A_536 : f32 to vector<16xf32>
      %mul3A_538 = arith.mulf %mul3A_537, %gather3A_534 : vector<16xf32>
      %add3A_539 = arith.addf %add3A_530, %mul3A_538 : vector<16xf32>
      %add3A_540 = arith.constant 54 : i32
      %add3A_541 = vector.broadcast %add3A_540 : i32 to vector<16xi32>
      %add3A_542 = arith.addi %mul3A_8, %add3A_541 : vector<16xi32>
      %gather3A_543 = tpu.vector_load_idx %arg7[%add3A_542] : memref<2048xf32, #tpu.memory_space<vmem>>[vector<16xi32>], vector<16xf32>,
      %slice3A_544 = vector.extract_strided_slice %mul3A_485 {offsets = [6], sizes = [1], strides = [1]} : vector<16xf32> to vector<1xf32>
      %squeeze3A_545 = vector.extract %slice3A_544[0] : f32 from vector<1xf32>
      %mul3A_546 = vector.broadcast %squeeze3A_545 : f32 to vector<16xf32>
      %mul3A_547 = arith.mulf %mul3A_546, %gather3A_543 : vector<16xf32>
      %add3A_548 = arith.addf %add3A_539, %mul3A_547 : vector<16xf32>
      %add3A_549 = arith.constant 55 : i32
      %add3A_550 = vector.broadcast %add3A_549 : i32 to vector<16xi32>
      %add3A_551 = arith.addi %mul3A_8, %add3A_550 : vector<16xi32>
      %gather3A_552 = tpu.vector_load_idx %arg7[%add3A_551] : memref<2048xf32, #tpu.memory_space<vmem>>[vector<16xi32>], vector<16xf32>,
      %slice3A_553 = vector.extract_strided_slice %mul3A_485 {offsets = [7], sizes = [1], strides = [1]} : vector<16xf32> to vector<1xf32>
      %squeeze3A_554 = vector.extract %slice3A_553[0] : f32 from vector<1xf32>
      %mul3A_555 = vector.broadcast %squeeze3A_554 : f32 to vector<16xf32>
      %mul3A_556 = arith.mulf %mul3A_555, %gather3A_552 : vector<16xf32>
      %add3A_557 = arith.addf %add3A_548, %mul3A_556 : vector<16xf32>
      %add3A_558 = arith.constant 56 : i32
      %add3A_559 = vector.broadcast %add3A_558 : i32 to vector<16xi32>
      %add3A_560 = arith.addi %mul3A_8, %add3A_559 : vector<16xi32>
      %gather3A_561 = tpu.vector_load_idx %arg7[%add3A_560] : memref<2048xf32, #tpu.memory_space<vmem>>[vector<16xi32>], vector<16xf32>,
      %slice3A_562 = vector.extract_strided_slice %mul3A_485 {offsets = [8], sizes = [1], strides = [1]} : vector<16xf32> to vector<1xf32>
      %squeeze3A_563 = vector.extract %slice3A_562[0] : f32 from vector<1xf32>
      %mul3A_564 = vector.broadcast %squeeze3A_563 : f32 to vector<16xf32>
      %mul3A_565 = arith.mulf %mul3A_564, %gather3A_561 : vector<16xf32>
      %add3A_566 = arith.addf %add3A_557, %mul3A_565 : vector<16xf32>
      %add3A_567 = arith.constant 57 : i32
      %add3A_568 = vector.broadcast %add3A_567 : i32 to vector<16xi32>
      %add3A_569 = arith.addi %mul3A_8, %add3A_568 : vector<16xi32>
      %gather3A_570 = tpu.vector_load_idx %arg7[%add3A_569] : memref<2048xf32, #tpu.memory_space<vmem>>[vector<16xi32>], vector<16xf32>,
      %slice3A_571 = vector.extract_strided_slice %mul3A_485 {offsets = [9], sizes = [1], strides = [1]} : vector<16xf32> to vector<1xf32>
      %squeeze3A_572 = vector.extract %slice3A_571[0] : f32 from vector<1xf32>
      %mul3A_573 = vector.broadcast %squeeze3A_572 : f32 to vector<16xf32>
      %mul3A_574 = arith.mulf %mul3A_573, %gather3A_570 : vector<16xf32>
      %add3A_575 = arith.addf %add3A_566, %mul3A_574 : vector<16xf32>
      %add3A_576 = arith.constant 58 : i32
      %add3A_577 = vector.broadcast %add3A_576 : i32 to vector<16xi32>
      %add3A_578 = arith.addi %mul3A_8, %add3A_577 : vector<16xi32>
      %gather3A_579 = tpu.vector_load_idx %arg7[%add3A_578] : memref<2048xf32, #tpu.memory_space<vmem>>[vector<16xi32>], vector<16xf32>,
      %slice3A_580 = vector.extract_strided_slice %mul3A_485 {offsets = [10], sizes = [1], strides = [1]} : vector<16xf32> to vector<1xf32>
      %squeeze3A_581 = vector.extract %slice3A_580[0] : f32 from vector<1xf32>
      %mul3A_582 = vector.broadcast %squeeze3A_581 : f32 to vector<16xf32>
      %mul3A_583 = arith.mulf %mul3A_582, %gather3A_579 : vector<16xf32>
      %add3A_584 = arith.addf %add3A_575, %mul3A_583 : vector<16xf32>
      %add3A_585 = arith.constant 59 : i32
      %add3A_586 = vector.broadcast %add3A_585 : i32 to vector<16xi32>
      %add3A_587 = arith.addi %mul3A_8, %add3A_586 : vector<16xi32>
      %gather3A_588 = tpu.vector_load_idx %arg7[%add3A_587] : memref<2048xf32, #tpu.memory_space<vmem>>[vector<16xi32>], vector<16xf32>,
      %slice3A_589 = vector.extract_strided_slice %mul3A_485 {offsets = [11], sizes = [1], strides = [1]} : vector<16xf32> to vector<1xf32>
      %squeeze3A_590 = vector.extract %slice3A_589[0] : f32 from vector<1xf32>
      %mul3A_591 = vector.broadcast %squeeze3A_590 : f32 to vector<16xf32>
      %mul3A_592 = arith.mulf %mul3A_591, %gather3A_588 : vector<16xf32>
      %add3A_593 = arith.addf %add3A_584, %mul3A_592 : vector<16xf32>
      %add3A_594 = arith.constant 60 : i32
      %add3A_595 = vector.broadcast %add3A_594 : i32 to vector<16xi32>
      %add3A_596 = arith.addi %mul3A_8, %add3A_595 : vector<16xi32>
      %gather3A_597 = tpu.vector_load_idx %arg7[%add3A_596] : memref<2048xf32, #tpu.memory_space<vmem>>[vector<16xi32>], vector<16xf32>,
      %slice3A_598 = vector.extract_strided_slice %mul3A_485 {offsets = [12], sizes = [1], strides = [1]} : vector<16xf32> to vector<1xf32>
      %squeeze3A_599 = vector.extract %slice3A_598[0] : f32 from vector<1xf32>
      %mul3A_600 = vector.broadcast %squeeze3A_599 : f32 to vector<16xf32>
      %mul3A_601 = arith.mulf %mul3A_600, %gather3A_597 : vector<16xf32>
      %add3A_602 = arith.addf %add3A_593, %mul3A_601 : vector<16xf32>
      %add3A_603 = arith.constant 61 : i32
      %add3A_604 = vector.broadcast %add3A_603 : i32 to vector<16xi32>
      %add3A_605 = arith.addi %mul3A_8, %add3A_604 : vector<16xi32>
      %gather3A_606 = tpu.vector_load_idx %arg7[%add3A_605] : memref<2048xf32, #tpu.memory_space<vmem>>[vector<16xi32>], vector<16xf32>,
      %slice3A_607 = vector.extract_strided_slice %mul3A_485 {offsets = [13], sizes = [1], strides = [1]} : vector<16xf32> to vector<1xf32>
      %squeeze3A_608 = vector.extract %slice3A_607[0] : f32 from vector<1xf32>
      %mul3A_609 = vector.broadcast %squeeze3A_608 : f32 to vector<16xf32>
      %mul3A_610 = arith.mulf %mul3A_609, %gather3A_606 : vector<16xf32>
      %add3A_611 = arith.addf %add3A_602, %mul3A_610 : vector<16xf32>
      %add3A_612 = arith.constant 62 : i32
      %add3A_613 = vector.broadcast %add3A_612 : i32 to vector<16xi32>
      %add3A_614 = arith.addi %mul3A_8, %add3A_613 : vector<16xi32>
      %gather3A_615 = tpu.vector_load_idx %arg7[%add3A_614] : memref<2048xf32, #tpu.memory_space<vmem>>[vector<16xi32>], vector<16xf32>,
      %slice3A_616 = vector.extract_strided_slice %mul3A_485 {offsets = [14], sizes = [1], strides = [1]} : vector<16xf32> to vector<1xf32>
      %squeeze3A_617 = vector.extract %slice3A_616[0] : f32 from vector<1xf32>
      %mul3A_618 = vector.broadcast %squeeze3A_617 : f32 to vector<16xf32>
      %mul3A_619 = arith.mulf %mul3A_618, %gather3A_615 : vector<16xf32>
      %add3A_620 = arith.addf %add3A_611, %mul3A_619 : vector<16xf32>
      %add3A_621 = arith.constant 63 : i32
      %add3A_622 = vector.broadcast %add3A_621 : i32 to vector<16xi32>
      %add3A_623 = arith.addi %mul3A_8, %add3A_622 : vector<16xi32>
      %gather3A_624 = tpu.vector_load_idx %arg7[%add3A_623] : memref<2048xf32, #tpu.memory_space<vmem>>[vector<16xi32>], vector<16xf32>,
      %slice3A_625 = vector.extract_strided_slice %mul3A_485 {offsets = [15], sizes = [1], strides = [1]} : vector<16xf32> to vector<1xf32>
      %squeeze3A_626 = vector.extract %slice3A_625[0] : f32 from vector<1xf32>
      %mul3A_627 = vector.broadcast %squeeze3A_626 : f32 to vector<16xf32>
      %mul3A_628 = arith.mulf %mul3A_627, %gather3A_624 : vector<16xf32>
      %add3A_629 = arith.addf %add3A_620, %mul3A_628 : vector<16xf32>
      %get3A_630 = arith.constant 0 : i32
      %get3A_631 = arith.index_cast %get3A_630 : i32 to index
      %get3A_632 = arith.constant 64 : index
      %get3A_633 = tpu.vector_load %arg6[%get3A_631, %get3A_632] {strides = array<i32>} : memref<2x128xf32, #tpu.memory_space<vmem>>, vector<16xf32>,
      %get3A_634 = arith.constant 1 : i32
      %get3A_635 = arith.index_cast %get3A_634 : i32 to index
      %get3A_636 = arith.constant 64 : index
      %get3A_637 = tpu.vector_load %arg6[%get3A_635, %get3A_636] {strides = array<i32>} : memref<2x128xf32, #tpu.memory_space<vmem>>, vector<16xf32>,
      %add3A_638 = arith.addf %get3A_633, %get3A_637 : vector<16xf32>
      %mul3A_639 = arith.constant 5.000000e-01 : f32
      %mul3A_640 = vector.broadcast %mul3A_639 : f32 to vector<16xf32>
      %mul3A_641 = arith.mulf %add3A_638, %mul3A_640 : vector<16xf32>
      %add3A_642 = arith.constant 64 : i32
      %add3A_643 = vector.broadcast %add3A_642 : i32 to vector<16xi32>
      %add3A_644 = arith.addi %mul3A_8, %add3A_643 : vector<16xi32>
      %gather3A_645 = tpu.vector_load_idx %arg7[%add3A_644] : memref<2048xf32, #tpu.memory_space<vmem>>[vector<16xi32>], vector<16xf32>,
      %slice3A_646 = vector.extract_strided_slice %mul3A_641 {offsets = [0], sizes = [1], strides = [1]} : vector<16xf32> to vector<1xf32>
      %squeeze3A_647 = vector.extract %slice3A_646[0] : f32 from vector<1xf32>
      %mul3A_648 = vector.broadcast %squeeze3A_647 : f32 to vector<16xf32>
      %mul3A_649 = arith.mulf %mul3A_648, %gather3A_645 : vector<16xf32>
      %add3A_650 = arith.addf %add3A_629, %mul3A_649 : vector<16xf32>
      %add3A_651 = arith.constant 65 : i32
      %add3A_652 = vector.broadcast %add3A_651 : i32 to vector<16xi32>
      %add3A_653 = arith.addi %mul3A_8, %add3A_652 : vector<16xi32>
      %gather3A_654 = tpu.vector_load_idx %arg7[%add3A_653] : memref<2048xf32, #tpu.memory_space<vmem>>[vector<16xi32>], vector<16xf32>,
      %slice3A_655 = vector.extract_strided_slice %mul3A_641 {offsets = [1], sizes = [1], strides = [1]} : vector<16xf32> to vector<1xf32>
      %squeeze3A_656 = vector.extract %slice3A_655[0] : f32 from vector<1xf32>
      %mul3A_657 = vector.broadcast %squeeze3A_656 : f32 to vector<16xf32>
      %mul3A_658 = arith.mulf %mul3A_657, %gather3A_654 : vector<16xf32>
      %add3A_659 = arith.addf %add3A_650, %mul3A_658 : vector<16xf32>
      %add3A_660 = arith.constant 66 : i32
      %add3A_661 = vector.broadcast %add3A_660 : i32 to vector<16xi32>
      %add3A_662 = arith.addi %mul3A_8, %add3A_661 : vector<16xi32>
      %gather3A_663 = tpu.vector_load_idx %arg7[%add3A_662] : memref<2048xf32, #tpu.memory_space<vmem>>[vector<16xi32>], vector<16xf32>,
      %slice3A_664 = vector.extract_strided_slice %mul3A_641 {offsets = [2], sizes = [1], strides = [1]} : vector<16xf32> to vector<1xf32>
      %squeeze3A_665 = vector.extract %slice3A_664[0] : f32 from vector<1xf32>
      %mul3A_666 = vector.broadcast %squeeze3A_665 : f32 to vector<16xf32>
      %mul3A_667 = arith.mulf %mul3A_666, %gather3A_663 : vector<16xf32>
      %add3A_668 = arith.addf %add3A_659, %mul3A_667 : vector<16xf32>
      %add3A_669 = arith.constant 67 : i32
      %add3A_670 = vector.broadcast %add3A_669 : i32 to vector<16xi32>
      %add3A_671 = arith.addi %mul3A_8, %add3A_670 : vector<16xi32>
      %gather3A_672 = tpu.vector_load_idx %arg7[%add3A_671] : memref<2048xf32, #tpu.memory_space<vmem>>[vector<16xi32>], vector<16xf32>,
      %slice3A_673 = vector.extract_strided_slice %mul3A_641 {offsets = [3], sizes = [1], strides = [1]} : vector<16xf32> to vector<1xf32>
      %squeeze3A_674 = vector.extract %slice3A_673[0] : f32 from vector<1xf32>
      %mul3A_675 = vector.broadcast %squeeze3A_674 : f32 to vector<16xf32>
      %mul3A_676 = arith.mulf %mul3A_675, %gather3A_672 : vector<16xf32>
      %add3A_677 = arith.addf %add3A_668, %mul3A_676 : vector<16xf32>
      %add3A_678 = arith.constant 68 : i32
      %add3A_679 = vector.broadcast %add3A_678 : i32 to vector<16xi32>
      %add3A_680 = arith.addi %mul3A_8, %add3A_679 : vector<16xi32>
      %gather3A_681 = tpu.vector_load_idx %arg7[%add3A_680] : memref<2048xf32, #tpu.memory_space<vmem>>[vector<16xi32>], vector<16xf32>,
      %slice3A_682 = vector.extract_strided_slice %mul3A_641 {offsets = [4], sizes = [1], strides = [1]} : vector<16xf32> to vector<1xf32>
      %squeeze3A_683 = vector.extract %slice3A_682[0] : f32 from vector<1xf32>
      %mul3A_684 = vector.broadcast %squeeze3A_683 : f32 to vector<16xf32>
      %mul3A_685 = arith.mulf %mul3A_684, %gather3A_681 : vector<16xf32>
      %add3A_686 = arith.addf %add3A_677, %mul3A_685 : vector<16xf32>
      %add3A_687 = arith.constant 69 : i32
      %add3A_688 = vector.broadcast %add3A_687 : i32 to vector<16xi32>
      %add3A_689 = arith.addi %mul3A_8, %add3A_688 : vector<16xi32>
      %gather3A_690 = tpu.vector_load_idx %arg7[%add3A_689] : memref<2048xf32, #tpu.memory_space<vmem>>[vector<16xi32>], vector<16xf32>,
      %slice3A_691 = vector.extract_strided_slice %mul3A_641 {offsets = [5], sizes = [1], strides = [1]} : vector<16xf32> to vector<1xf32>
      %squeeze3A_692 = vector.extract %slice3A_691[0] : f32 from vector<1xf32>
      %mul3A_693 = vector.broadcast %squeeze3A_692 : f32 to vector<16xf32>
      %mul3A_694 = arith.mulf %mul3A_693, %gather3A_690 : vector<16xf32>
      %add3A_695 = arith.addf %add3A_686, %mul3A_694 : vector<16xf32>
      %add3A_696 = arith.constant 70 : i32
      %add3A_697 = vector.broadcast %add3A_696 : i32 to vector<16xi32>
      %add3A_698 = arith.addi %mul3A_8, %add3A_697 : vector<16xi32>
      %gather3A_699 = tpu.vector_load_idx %arg7[%add3A_698] : memref<2048xf32, #tpu.memory_space<vmem>>[vector<16xi32>], vector<16xf32>,
      %slice3A_700 = vector.extract_strided_slice %mul3A_641 {offsets = [6], sizes = [1], strides = [1]} : vector<16xf32> to vector<1xf32>
      %squeeze3A_701 = vector.extract %slice3A_700[0] : f32 from vector<1xf32>
      %mul3A_702 = vector.broadcast %squeeze3A_701 : f32 to vector<16xf32>
      %mul3A_703 = arith.mulf %mul3A_702, %gather3A_699 : vector<16xf32>
      %add3A_704 = arith.addf %add3A_695, %mul3A_703 : vector<16xf32>
      %add3A_705 = arith.constant 71 : i32
      %add3A_706 = vector.broadcast %add3A_705 : i32 to vector<16xi32>
      %add3A_707 = arith.addi %mul3A_8, %add3A_706 : vector<16xi32>
      %gather3A_708 = tpu.vector_load_idx %arg7[%add3A_707] : memref<2048xf32, #tpu.memory_space<vmem>>[vector<16xi32>], vector<16xf32>,
      %slice3A_709 = vector.extract_strided_slice %mul3A_641 {offsets = [7], sizes = [1], strides = [1]} : vector<16xf32> to vector<1xf32>
      %squeeze3A_710 = vector.extract %slice3A_709[0] : f32 from vector<1xf32>
      %mul3A_711 = vector.broadcast %squeeze3A_710 : f32 to vector<16xf32>
      %mul3A_712 = arith.mulf %mul3A_711, %gather3A_708 : vector<16xf32>
      %add3A_713 = arith.addf %add3A_704, %mul3A_712 : vector<16xf32>
      %add3A_714 = arith.constant 72 : i32
      %add3A_715 = vector.broadcast %add3A_714 : i32 to vector<16xi32>
      %add3A_716 = arith.addi %mul3A_8, %add3A_715 : vector<16xi32>
      %gather3A_717 = tpu.vector_load_idx %arg7[%add3A_716] : memref<2048xf32, #tpu.memory_space<vmem>>[vector<16xi32>], vector<16xf32>,
      %slice3A_718 = vector.extract_strided_slice %mul3A_641 {offsets = [8], sizes = [1], strides = [1]} : vector<16xf32> to vector<1xf32>
      %squeeze3A_719 = vector.extract %slice3A_718[0] : f32 from vector<1xf32>
      %mul3A_720 = vector.broadcast %squeeze3A_719 : f32 to vector<16xf32>
      %mul3A_721 = arith.mulf %mul3A_720, %gather3A_717 : vector<16xf32>
      %add3A_722 = arith.addf %add3A_713, %mul3A_721 : vector<16xf32>
      %add3A_723 = arith.constant 73 : i32
      %add3A_724 = vector.broadcast %add3A_723 : i32 to vector<16xi32>
      %add3A_725 = arith.addi %mul3A_8, %add3A_724 : vector<16xi32>
      %gather3A_726 = tpu.vector_load_idx %arg7[%add3A_725] : memref<2048xf32, #tpu.memory_space<vmem>>[vector<16xi32>], vector<16xf32>,
      %slice3A_727 = vector.extract_strided_slice %mul3A_641 {offsets = [9], sizes = [1], strides = [1]} : vector<16xf32> to vector<1xf32>
      %squeeze3A_728 = vector.extract %slice3A_727[0] : f32 from vector<1xf32>
      %mul3A_729 = vector.broadcast %squeeze3A_728 : f32 to vector<16xf32>
      %mul3A_730 = arith.mulf %mul3A_729, %gather3A_726 : vector<16xf32>
      %add3A_731 = arith.addf %add3A_722, %mul3A_730 : vector<16xf32>
      %add3A_732 = arith.constant 74 : i32
      %add3A_733 = vector.broadcast %add3A_732 : i32 to vector<16xi32>
      %add3A_734 = arith.addi %mul3A_8, %add3A_733 : vector<16xi32>
      %gather3A_735 = tpu.vector_load_idx %arg7[%add3A_734] : memref<2048xf32, #tpu.memory_space<vmem>>[vector<16xi32>], vector<16xf32>,
      %slice3A_736 = vector.extract_strided_slice %mul3A_641 {offsets = [10], sizes = [1], strides = [1]} : vector<16xf32> to vector<1xf32>
      %squeeze3A_737 = vector.extract %slice3A_736[0] : f32 from vector<1xf32>
      %mul3A_738 = vector.broadcast %squeeze3A_737 : f32 to vector<16xf32>
      %mul3A_739 = arith.mulf %mul3A_738, %gather3A_735 : vector<16xf32>
      %add3A_740 = arith.addf %add3A_731, %mul3A_739 : vector<16xf32>
      %add3A_741 = arith.constant 75 : i32
      %add3A_742 = vector.broadcast %add3A_741 : i32 to vector<16xi32>
      %add3A_743 = arith.addi %mul3A_8, %add3A_742 : vector<16xi32>
      %gather3A_744 = tpu.vector_load_idx %arg7[%add3A_743] : memref<2048xf32, #tpu.memory_space<vmem>>[vector<16xi32>], vector<16xf32>,
      %slice3A_745 = vector.extract_strided_slice %mul3A_641 {offsets = [11], sizes = [1], strides = [1]} : vector<16xf32> to vector<1xf32>
      %squeeze3A_746 = vector.extract %slice3A_745[0] : f32 from vector<1xf32>
      %mul3A_747 = vector.broadcast %squeeze3A_746 : f32 to vector<16xf32>
      %mul3A_748 = arith.mulf %mul3A_747, %gather3A_744 : vector<16xf32>
      %add3A_749 = arith.addf %add3A_740, %mul3A_748 : vector<16xf32>
      %add3A_750 = arith.constant 76 : i32
      %add3A_751 = vector.broadcast %add3A_750 : i32 to vector<16xi32>
      %add3A_752 = arith.addi %mul3A_8, %add3A_751 : vector<16xi32>
      %gather3A_753 = tpu.vector_load_idx %arg7[%add3A_752] : memref<2048xf32, #tpu.memory_space<vmem>>[vector<16xi32>], vector<16xf32>,
      %slice3A_754 = vector.extract_strided_slice %mul3A_641 {offsets = [12], sizes = [1], strides = [1]} : vector<16xf32> to vector<1xf32>
      %squeeze3A_755 = vector.extract %slice3A_754[0] : f32 from vector<1xf32>
      %mul3A_756 = vector.broadcast %squeeze3A_755 : f32 to vector<16xf32>
      %mul3A_757 = arith.mulf %mul3A_756, %gather3A_753 : vector<16xf32>
      %add3A_758 = arith.addf %add3A_749, %mul3A_757 : vector<16xf32>
      %add3A_759 = arith.constant 77 : i32
      %add3A_760 = vector.broadcast %add3A_759 : i32 to vector<16xi32>
      %add3A_761 = arith.addi %mul3A_8, %add3A_760 : vector<16xi32>
      %gather3A_762 = tpu.vector_load_idx %arg7[%add3A_761] : memref<2048xf32, #tpu.memory_space<vmem>>[vector<16xi32>], vector<16xf32>,
      %slice3A_763 = vector.extract_strided_slice %mul3A_641 {offsets = [13], sizes = [1], strides = [1]} : vector<16xf32> to vector<1xf32>
      %squeeze3A_764 = vector.extract %slice3A_763[0] : f32 from vector<1xf32>
      %mul3A_765 = vector.broadcast %squeeze3A_764 : f32 to vector<16xf32>
      %mul3A_766 = arith.mulf %mul3A_765, %gather3A_762 : vector<16xf32>
      %add3A_767 = arith.addf %add3A_758, %mul3A_766 : vector<16xf32>
      %add3A_768 = arith.constant 78 : i32
      %add3A_769 = vector.broadcast %add3A_768 : i32 to vector<16xi32>
      %add3A_770 = arith.addi %mul3A_8, %add3A_769 : vector<16xi32>
      %gather3A_771 = tpu.vector_load_idx %arg7[%add3A_770] : memref<2048xf32, #tpu.memory_space<vmem>>[vector<16xi32>], vector<16xf32>,
      %slice3A_772 = vector.extract_strided_slice %mul3A_641 {offsets = [14], sizes = [1], strides = [1]} : vector<16xf32> to vector<1xf32>
      %squeeze3A_773 = vector.extract %slice3A_772[0] : f32 from vector<1xf32>
      %mul3A_774 = vector.broadcast %squeeze3A_773 : f32 to vector<16xf32>
      %mul3A_775 = arith.mulf %mul3A_774, %gather3A_771 : vector<16xf32>
      %add3A_776 = arith.addf %add3A_767, %mul3A_775 : vector<16xf32>
      %add3A_777 = arith.constant 79 : i32
      %add3A_778 = vector.broadcast %add3A_777 : i32 to vector<16xi32>
      %add3A_779 = arith.addi %mul3A_8, %add3A_778 : vector<16xi32>
      %gather3A_780 = tpu.vector_load_idx %arg7[%add3A_779] : memref<2048xf32, #tpu.memory_space<vmem>>[vector<16xi32>], vector<16xf32>,
      %slice3A_781 = vector.extract_strided_slice %mul3A_641 {offsets = [15], sizes = [1], strides = [1]} : vector<16xf32> to vector<1xf32>
      %squeeze3A_782 = vector.extract %slice3A_781[0] : f32 from vector<1xf32>
      %mul3A_783 = vector.broadcast %squeeze3A_782 : f32 to vector<16xf32>
      %mul3A_784 = arith.mulf %mul3A_783, %gather3A_780 : vector<16xf32>
      %add3A_785 = arith.addf %add3A_776, %mul3A_784 : vector<16xf32>
      %get3A_786 = arith.constant 0 : i32
      %get3A_787 = arith.index_cast %get3A_786 : i32 to index
      %get3A_788 = arith.constant 80 : index
      %get3A_789 = tpu.vector_load %arg6[%get3A_787, %get3A_788] {strides = array<i32>} : memref<2x128xf32, #tpu.memory_space<vmem>>, vector<16xf32>,
      %get3A_790 = arith.constant 1 : i32
      %get3A_791 = arith.index_cast %get3A_790 : i32 to index
      %get3A_792 = arith.constant 80 : index
      %get3A_793 = tpu.vector_load %arg6[%get3A_791, %get3A_792] {strides = array<i32>} : memref<2x128xf32, #tpu.memory_space<vmem>>, vector<16xf32>,
      %add3A_794 = arith.addf %get3A_789, %get3A_793 : vector<16xf32>
      %mul3A_795 = arith.constant 5.000000e-01 : f32
      %mul3A_796 = vector.broadcast %mul3A_795 : f32 to vector<16xf32>
      %mul3A_797 = arith.mulf %add3A_794, %mul3A_796 : vector<16xf32>
      %add3A_798 = arith.constant 80 : i32
      %add3A_799 = vector.broadcast %add3A_798 : i32 to vector<16xi32>
      %add3A_800 = arith.addi %mul3A_8, %add3A_799 : vector<16xi32>
      %gather3A_801 = tpu.vector_load_idx %arg7[%add3A_800] : memref<2048xf32, #tpu.memory_space<vmem>>[vector<16xi32>], vector<16xf32>,
      %slice3A_802 = vector.extract_strided_slice %mul3A_797 {offsets = [0], sizes = [1], strides = [1]} : vector<16xf32> to vector<1xf32>
      %squeeze3A_803 = vector.extract %slice3A_802[0] : f32 from vector<1xf32>
      %mul3A_804 = vector.broadcast %squeeze3A_803 : f32 to vector<16xf32>
      %mul3A_805 = arith.mulf %mul3A_804, %gather3A_801 : vector<16xf32>
      %add3A_806 = arith.addf %add3A_785, %mul3A_805 : vector<16xf32>
      %add3A_807 = arith.constant 81 : i32
      %add3A_808 = vector.broadcast %add3A_807 : i32 to vector<16xi32>
      %add3A_809 = arith.addi %mul3A_8, %add3A_808 : vector<16xi32>
      %gather3A_810 = tpu.vector_load_idx %arg7[%add3A_809] : memref<2048xf32, #tpu.memory_space<vmem>>[vector<16xi32>], vector<16xf32>,
      %slice3A_811 = vector.extract_strided_slice %mul3A_797 {offsets = [1], sizes = [1], strides = [1]} : vector<16xf32> to vector<1xf32>
      %squeeze3A_812 = vector.extract %slice3A_811[0] : f32 from vector<1xf32>
      %mul3A_813 = vector.broadcast %squeeze3A_812 : f32 to vector<16xf32>
      %mul3A_814 = arith.mulf %mul3A_813, %gather3A_810 : vector<16xf32>
      %add3A_815 = arith.addf %add3A_806, %mul3A_814 : vector<16xf32>
      %add3A_816 = arith.constant 82 : i32
      %add3A_817 = vector.broadcast %add3A_816 : i32 to vector<16xi32>
      %add3A_818 = arith.addi %mul3A_8, %add3A_817 : vector<16xi32>
      %gather3A_819 = tpu.vector_load_idx %arg7[%add3A_818] : memref<2048xf32, #tpu.memory_space<vmem>>[vector<16xi32>], vector<16xf32>,
      %slice3A_820 = vector.extract_strided_slice %mul3A_797 {offsets = [2], sizes = [1], strides = [1]} : vector<16xf32> to vector<1xf32>
      %squeeze3A_821 = vector.extract %slice3A_820[0] : f32 from vector<1xf32>
      %mul3A_822 = vector.broadcast %squeeze3A_821 : f32 to vector<16xf32>
      %mul3A_823 = arith.mulf %mul3A_822, %gather3A_819 : vector<16xf32>
      %add3A_824 = arith.addf %add3A_815, %mul3A_823 : vector<16xf32>
      %add3A_825 = arith.constant 83 : i32
      %add3A_826 = vector.broadcast %add3A_825 : i32 to vector<16xi32>
      %add3A_827 = arith.addi %mul3A_8, %add3A_826 : vector<16xi32>
      %gather3A_828 = tpu.vector_load_idx %arg7[%add3A_827] : memref<2048xf32, #tpu.memory_space<vmem>>[vector<16xi32>], vector<16xf32>,
      %slice3A_829 = vector.extract_strided_slice %mul3A_797 {offsets = [3], sizes = [1], strides = [1]} : vector<16xf32> to vector<1xf32>
      %squeeze3A_830 = vector.extract %slice3A_829[0] : f32 from vector<1xf32>
      %mul3A_831 = vector.broadcast %squeeze3A_830 : f32 to vector<16xf32>
      %mul3A_832 = arith.mulf %mul3A_831, %gather3A_828 : vector<16xf32>
      %add3A_833 = arith.addf %add3A_824, %mul3A_832 : vector<16xf32>
      %add3A_834 = arith.constant 84 : i32
      %add3A_835 = vector.broadcast %add3A_834 : i32 to vector<16xi32>
      %add3A_836 = arith.addi %mul3A_8, %add3A_835 : vector<16xi32>
      %gather3A_837 = tpu.vector_load_idx %arg7[%add3A_836] : memref<2048xf32, #tpu.memory_space<vmem>>[vector<16xi32>], vector<16xf32>,
      %slice3A_838 = vector.extract_strided_slice %mul3A_797 {offsets = [4], sizes = [1], strides = [1]} : vector<16xf32> to vector<1xf32>
      %squeeze3A_839 = vector.extract %slice3A_838[0] : f32 from vector<1xf32>
      %mul3A_840 = vector.broadcast %squeeze3A_839 : f32 to vector<16xf32>
      %mul3A_841 = arith.mulf %mul3A_840, %gather3A_837 : vector<16xf32>
      %add3A_842 = arith.addf %add3A_833, %mul3A_841 : vector<16xf32>
      %add3A_843 = arith.constant 85 : i32
      %add3A_844 = vector.broadcast %add3A_843 : i32 to vector<16xi32>
      %add3A_845 = arith.addi %mul3A_8, %add3A_844 : vector<16xi32>
      %gather3A_846 = tpu.vector_load_idx %arg7[%add3A_845] : memref<2048xf32, #tpu.memory_space<vmem>>[vector<16xi32>], vector<16xf32>,
      %slice3A_847 = vector.extract_strided_slice %mul3A_797 {offsets = [5], sizes = [1], strides = [1]} : vector<16xf32> to vector<1xf32>
      %squeeze3A_848 = vector.extract %slice3A_847[0] : f32 from vector<1xf32>
      %mul3A_849 = vector.broadcast %squeeze3A_848 : f32 to vector<16xf32>
      %mul3A_850 = arith.mulf %mul3A_849, %gather3A_846 : vector<16xf32>
      %add3A_851 = arith.addf %add3A_842, %mul3A_850 : vector<16xf32>
      %add3A_852 = arith.constant 86 : i32
      %add3A_853 = vector.broadcast %add3A_852 : i32 to vector<16xi32>
      %add3A_854 = arith.addi %mul3A_8, %add3A_853 : vector<16xi32>
      %gather3A_855 = tpu.vector_load_idx %arg7[%add3A_854] : memref<2048xf32, #tpu.memory_space<vmem>>[vector<16xi32>], vector<16xf32>,
      %slice3A_856 = vector.extract_strided_slice %mul3A_797 {offsets = [6], sizes = [1], strides = [1]} : vector<16xf32> to vector<1xf32>
      %squeeze3A_857 = vector.extract %slice3A_856[0] : f32 from vector<1xf32>
      %mul3A_858 = vector.broadcast %squeeze3A_857 : f32 to vector<16xf32>
      %mul3A_859 = arith.mulf %mul3A_858, %gather3A_855 : vector<16xf32>
      %add3A_860 = arith.addf %add3A_851, %mul3A_859 : vector<16xf32>
      %add3A_861 = arith.constant 87 : i32
      %add3A_862 = vector.broadcast %add3A_861 : i32 to vector<16xi32>
      %add3A_863 = arith.addi %mul3A_8, %add3A_862 : vector<16xi32>
      %gather3A_864 = tpu.vector_load_idx %arg7[%add3A_863] : memref<2048xf32, #tpu.memory_space<vmem>>[vector<16xi32>], vector<16xf32>,
      %slice3A_865 = vector.extract_strided_slice %mul3A_797 {offsets = [7], sizes = [1], strides = [1]} : vector<16xf32> to vector<1xf32>
      %squeeze3A_866 = vector.extract %slice3A_865[0] : f32 from vector<1xf32>
      %mul3A_867 = vector.broadcast %squeeze3A_866 : f32 to vector<16xf32>
      %mul3A_868 = arith.mulf %mul3A_867, %gather3A_864 : vector<16xf32>
      %add3A_869 = arith.addf %add3A_860, %mul3A_868 : vector<16xf32>
      %add3A_870 = arith.constant 88 : i32
      %add3A_871 = vector.broadcast %add3A_870 : i32 to vector<16xi32>
      %add3A_872 = arith.addi %mul3A_8, %add3A_871 : vector<16xi32>
      %gather3A_873 = tpu.vector_load_idx %arg7[%add3A_872] : memref<2048xf32, #tpu.memory_space<vmem>>[vector<16xi32>], vector<16xf32>,
      %slice3A_874 = vector.extract_strided_slice %mul3A_797 {offsets = [8], sizes = [1], strides = [1]} : vector<16xf32> to vector<1xf32>
      %squeeze3A_875 = vector.extract %slice3A_874[0] : f32 from vector<1xf32>
      %mul3A_876 = vector.broadcast %squeeze3A_875 : f32 to vector<16xf32>
      %mul3A_877 = arith.mulf %mul3A_876, %gather3A_873 : vector<16xf32>
      %add3A_878 = arith.addf %add3A_869, %mul3A_877 : vector<16xf32>
      %add3A_879 = arith.constant 89 : i32
      %add3A_880 = vector.broadcast %add3A_879 : i32 to vector<16xi32>
      %add3A_881 = arith.addi %mul3A_8, %add3A_880 : vector<16xi32>
      %gather3A_882 = tpu.vector_load_idx %arg7[%add3A_881] : memref<2048xf32, #tpu.memory_space<vmem>>[vector<16xi32>], vector<16xf32>,
      %slice3A_883 = vector.extract_strided_slice %mul3A_797 {offsets = [9], sizes = [1], strides = [1]} : vector<16xf32> to vector<1xf32>
      %squeeze3A_884 = vector.extract %slice3A_883[0] : f32 from vector<1xf32>
      %mul3A_885 = vector.broadcast %squeeze3A_884 : f32 to vector<16xf32>
      %mul3A_886 = arith.mulf %mul3A_885, %gather3A_882 : vector<16xf32>
      %add3A_887 = arith.addf %add3A_878, %mul3A_886 : vector<16xf32>
      %add3A_888 = arith.constant 90 : i32
      %add3A_889 = vector.broadcast %add3A_888 : i32 to vector<16xi32>
      %add3A_890 = arith.addi %mul3A_8, %add3A_889 : vector<16xi32>
      %gather3A_891 = tpu.vector_load_idx %arg7[%add3A_890] : memref<2048xf32, #tpu.memory_space<vmem>>[vector<16xi32>], vector<16xf32>,
      %slice3A_892 = vector.extract_strided_slice %mul3A_797 {offsets = [10], sizes = [1], strides = [1]} : vector<16xf32> to vector<1xf32>
      %squeeze3A_893 = vector.extract %slice3A_892[0] : f32 from vector<1xf32>
      %mul3A_894 = vector.broadcast %squeeze3A_893 : f32 to vector<16xf32>
      %mul3A_895 = arith.mulf %mul3A_894, %gather3A_891 : vector<16xf32>
      %add3A_896 = arith.addf %add3A_887, %mul3A_895 : vector<16xf32>
      %add3A_897 = arith.constant 91 : i32
      %add3A_898 = vector.broadcast %add3A_897 : i32 to vector<16xi32>
      %add3A_899 = arith.addi %mul3A_8, %add3A_898 : vector<16xi32>
      %gather3A_900 = tpu.vector_load_idx %arg7[%add3A_899] : memref<2048xf32, #tpu.memory_space<vmem>>[vector<16xi32>], vector<16xf32>,
      %slice3A_901 = vector.extract_strided_slice %mul3A_797 {offsets = [11], sizes = [1], strides = [1]} : vector<16xf32> to vector<1xf32>
      %squeeze3A_902 = vector.extract %slice3A_901[0] : f32 from vector<1xf32>
      %mul3A_903 = vector.broadcast %squeeze3A_902 : f32 to vector<16xf32>
      %mul3A_904 = arith.mulf %mul3A_903, %gather3A_900 : vector<16xf32>
      %add3A_905 = arith.addf %add3A_896, %mul3A_904 : vector<16xf32>
      %add3A_906 = arith.constant 92 : i32
      %add3A_907 = vector.broadcast %add3A_906 : i32 to vector<16xi32>
      %add3A_908 = arith.addi %mul3A_8, %add3A_907 : vector<16xi32>
      %gather3A_909 = tpu.vector_load_idx %arg7[%add3A_908] : memref<2048xf32, #tpu.memory_space<vmem>>[vector<16xi32>], vector<16xf32>,
      %slice3A_910 = vector.extract_strided_slice %mul3A_797 {offsets = [12], sizes = [1], strides = [1]} : vector<16xf32> to vector<1xf32>
      %squeeze3A_911 = vector.extract %slice3A_910[0] : f32 from vector<1xf32>
      %mul3A_912 = vector.broadcast %squeeze3A_911 : f32 to vector<16xf32>
      %mul3A_913 = arith.mulf %mul3A_912, %gather3A_909 : vector<16xf32>
      %add3A_914 = arith.addf %add3A_905, %mul3A_913 : vector<16xf32>
      %add3A_915 = arith.constant 93 : i32
      %add3A_916 = vector.broadcast %add3A_915 : i32 to vector<16xi32>
      %add3A_917 = arith.addi %mul3A_8, %add3A_916 : vector<16xi32>
      %gather3A_918 = tpu.vector_load_idx %arg7[%add3A_917] : memref<2048xf32, #tpu.memory_space<vmem>>[vector<16xi32>], vector<16xf32>,
      %slice3A_919 = vector.extract_strided_slice %mul3A_797 {offsets = [13], sizes = [1], strides = [1]} : vector<16xf32> to vector<1xf32>
      %squeeze3A_920 = vector.extract %slice3A_919[0] : f32 from vector<1xf32>
      %mul3A_921 = vector.broadcast %squeeze3A_920 : f32 to vector<16xf32>
      %mul3A_922 = arith.mulf %mul3A_921, %gather3A_918 : vector<16xf32>
      %add3A_923 = arith.addf %add3A_914, %mul3A_922 : vector<16xf32>
      %add3A_924 = arith.constant 94 : i32
      %add3A_925 = vector.broadcast %add3A_924 : i32 to vector<16xi32>
      %add3A_926 = arith.addi %mul3A_8, %add3A_925 : vector<16xi32>
      %gather3A_927 = tpu.vector_load_idx %arg7[%add3A_926] : memref<2048xf32, #tpu.memory_space<vmem>>[vector<16xi32>], vector<16xf32>,
      %slice3A_928 = vector.extract_strided_slice %mul3A_797 {offsets = [14], sizes = [1], strides = [1]} : vector<16xf32> to vector<1xf32>
      %squeeze3A_929 = vector.extract %slice3A_928[0] : f32 from vector<1xf32>
      %mul3A_930 = vector.broadcast %squeeze3A_929 : f32 to vector<16xf32>
      %mul3A_931 = arith.mulf %mul3A_930, %gather3A_927 : vector<16xf32>
      %add3A_932 = arith.addf %add3A_923, %mul3A_931 : vector<16xf32>
      %add3A_933 = arith.constant 95 : i32
      %add3A_934 = vector.broadcast %add3A_933 : i32 to vector<16xi32>
      %add3A_935 = arith.addi %mul3A_8, %add3A_934 : vector<16xi32>
      %gather3A_936 = tpu.vector_load_idx %arg7[%add3A_935] : memref<2048xf32, #tpu.memory_space<vmem>>[vector<16xi32>], vector<16xf32>,
      %slice3A_937 = vector.extract_strided_slice %mul3A_797 {offsets = [15], sizes = [1], strides = [1]} : vector<16xf32> to vector<1xf32>
      %squeeze3A_938 = vector.extract %slice3A_937[0] : f32 from vector<1xf32>
      %mul3A_939 = vector.broadcast %squeeze3A_938 : f32 to vector<16xf32>
      %mul3A_940 = arith.mulf %mul3A_939, %gather3A_936 : vector<16xf32>
      %add3A_941 = arith.addf %add3A_932, %mul3A_940 : vector<16xf32>
      %get3A_942 = arith.constant 0 : i32
      %get3A_943 = arith.index_cast %get3A_942 : i32 to index
      %get3A_944 = arith.constant 96 : index
      %get3A_945 = tpu.vector_load %arg6[%get3A_943, %get3A_944] {strides = array<i32>} : memref<2x128xf32, #tpu.memory_space<vmem>>, vector<16xf32>,
      %get3A_946 = arith.constant 1 : i32
      %get3A_947 = arith.index_cast %get3A_946 : i32 to index
      %get3A_948 = arith.constant 96 : index
      %get3A_949 = tpu.vector_load %arg6[%get3A_947, %get3A_948] {strides = array<i32>} : memref<2x128xf32, #tpu.memory_space<vmem>>, vector<16xf32>,
      %add3A_950 = arith.addf %get3A_945, %get3A_949 : vector<16xf32>
      %mul3A_951 = arith.constant 5.000000e-01 : f32
      %mul3A_952 = vector.broadcast %mul3A_951 : f32 to vector<16xf32>
      %mul3A_953 = arith.mulf %add3A_950, %mul3A_952 : vector<16xf32>
      %add3A_954 = arith.constant 96 : i32
      %add3A_955 = vector.broadcast %add3A_954 : i32 to vector<16xi32>
      %add3A_956 = arith.addi %mul3A_8, %add3A_955 : vector<16xi32>
      %gather3A_957 = tpu.vector_load_idx %arg7[%add3A_956] : memref<2048xf32, #tpu.memory_space<vmem>>[vector<16xi32>], vector<16xf32>,
      %slice3A_958 = vector.extract_strided_slice %mul3A_953 {offsets = [0], sizes = [1], strides = [1]} : vector<16xf32> to vector<1xf32>
      %squeeze3A_959 = vector.extract %slice3A_958[0] : f32 from vector<1xf32>
      %mul3A_960 = vector.broadcast %squeeze3A_959 : f32 to vector<16xf32>
      %mul3A_961 = arith.mulf %mul3A_960, %gather3A_957 : vector<16xf32>
      %add3A_962 = arith.addf %add3A_941, %mul3A_961 : vector<16xf32>
      %add3A_963 = arith.constant 97 : i32
      %add3A_964 = vector.broadcast %add3A_963 : i32 to vector<16xi32>
      %add3A_965 = arith.addi %mul3A_8, %add3A_964 : vector<16xi32>
      %gather3A_966 = tpu.vector_load_idx %arg7[%add3A_965] : memref<2048xf32, #tpu.memory_space<vmem>>[vector<16xi32>], vector<16xf32>,
      %slice3A_967 = vector.extract_strided_slice %mul3A_953 {offsets = [1], sizes = [1], strides = [1]} : vector<16xf32> to vector<1xf32>
      %squeeze3A_968 = vector.extract %slice3A_967[0] : f32 from vector<1xf32>
      %mul3A_969 = vector.broadcast %squeeze3A_968 : f32 to vector<16xf32>
      %mul3A_970 = arith.mulf %mul3A_969, %gather3A_966 : vector<16xf32>
      %add3A_971 = arith.addf %add3A_962, %mul3A_970 : vector<16xf32>
      %add3A_972 = arith.constant 98 : i32
      %add3A_973 = vector.broadcast %add3A_972 : i32 to vector<16xi32>
      %add3A_974 = arith.addi %mul3A_8, %add3A_973 : vector<16xi32>
      %gather3A_975 = tpu.vector_load_idx %arg7[%add3A_974] : memref<2048xf32, #tpu.memory_space<vmem>>[vector<16xi32>], vector<16xf32>,
      %slice3A_976 = vector.extract_strided_slice %mul3A_953 {offsets = [2], sizes = [1], strides = [1]} : vector<16xf32> to vector<1xf32>
      %squeeze3A_977 = vector.extract %slice3A_976[0] : f32 from vector<1xf32>
      %mul3A_978 = vector.broadcast %squeeze3A_977 : f32 to vector<16xf32>
      %mul3A_979 = arith.mulf %mul3A_978, %gather3A_975 : vector<16xf32>
      %add3A_980 = arith.addf %add3A_971, %mul3A_979 : vector<16xf32>
      %add3A_981 = arith.constant 99 : i32
      %add3A_982 = vector.broadcast %add3A_981 : i32 to vector<16xi32>
      %add3A_983 = arith.addi %mul3A_8, %add3A_982 : vector<16xi32>
      %gather3A_984 = tpu.vector_load_idx %arg7[%add3A_983] : memref<2048xf32, #tpu.memory_space<vmem>>[vector<16xi32>], vector<16xf32>,
      %slice3A_985 = vector.extract_strided_slice %mul3A_953 {offsets = [3], sizes = [1], strides = [1]} : vector<16xf32> to vector<1xf32>
      %squeeze3A_986 = vector.extract %slice3A_985[0] : f32 from vector<1xf32>
      %mul3A_987 = vector.broadcast %squeeze3A_986 : f32 to vector<16xf32>
      %mul3A_988 = arith.mulf %mul3A_987, %gather3A_984 : vector<16xf32>
      %add3A_989 = arith.addf %add3A_980, %mul3A_988 : vector<16xf32>
      %add3A_990 = arith.constant 100 : i32
      %add3A_991 = vector.broadcast %add3A_990 : i32 to vector<16xi32>
      %add3A_992 = arith.addi %mul3A_8, %add3A_991 : vector<16xi32>
      %gather3A_993 = tpu.vector_load_idx %arg7[%add3A_992] : memref<2048xf32, #tpu.memory_space<vmem>>[vector<16xi32>], vector<16xf32>,
      %slice3A_994 = vector.extract_strided_slice %mul3A_953 {offsets = [4], sizes = [1], strides = [1]} : vector<16xf32> to vector<1xf32>
      %squeeze3A_995 = vector.extract %slice3A_994[0] : f32 from vector<1xf32>
      %mul3A_996 = vector.broadcast %squeeze3A_995 : f32 to vector<16xf32>
      %mul3A_997 = arith.mulf %mul3A_996, %gather3A_993 : vector<16xf32>
      %add3A_998 = arith.addf %add3A_989, %mul3A_997 : vector<16xf32>
      %add3A_999 = arith.constant 101 : i32
      %add3A_1000 = vector.broadcast %add3A_999 : i32 to vector<16xi32>
      %add3A_1001 = arith.addi %mul3A_8, %add3A_1000 : vector<16xi32>
      %gather3A_1002 = tpu.vector_load_idx %arg7[%add3A_1001] : memref<2048xf32, #tpu.memory_space<vmem>>[vector<16xi32>], vector<16xf32>,
      %slice3A_1003 = vector.extract_strided_slice %mul3A_953 {offsets = [5], sizes = [1], strides = [1]} : vector<16xf32> to vector<1xf32>
      %squeeze3A_1004 = vector.extract %slice3A_1003[0] : f32 from vector<1xf32>
      %mul3A_1005 = vector.broadcast %squeeze3A_1004 : f32 to vector<16xf32>
      %mul3A_1006 = arith.mulf %mul3A_1005, %gather3A_1002 : vector<16xf32>
      %add3A_1007 = arith.addf %add3A_998, %mul3A_1006 : vector<16xf32>
      %add3A_1008 = arith.constant 102 : i32
      %add3A_1009 = vector.broadcast %add3A_1008 : i32 to vector<16xi32>
      %add3A_1010 = arith.addi %mul3A_8, %add3A_1009 : vector<16xi32>
      %gather3A_1011 = tpu.vector_load_idx %arg7[%add3A_1010] : memref<2048xf32, #tpu.memory_space<vmem>>[vector<16xi32>], vector<16xf32>,
      %slice3A_1012 = vector.extract_strided_slice %mul3A_953 {offsets = [6], sizes = [1], strides = [1]} : vector<16xf32> to vector<1xf32>
      %squeeze3A_1013 = vector.extract %slice3A_1012[0] : f32 from vector<1xf32>
      %mul3A_1014 = vector.broadcast %squeeze3A_1013 : f32 to vector<16xf32>
      %mul3A_1015 = arith.mulf %mul3A_1014, %gather3A_1011 : vector<16xf32>
      %add3A_1016 = arith.addf %add3A_1007, %mul3A_1015 : vector<16xf32>
      %add3A_1017 = arith.constant 103 : i32
      %add3A_1018 = vector.broadcast %add3A_1017 : i32 to vector<16xi32>
      %add3A_1019 = arith.addi %mul3A_8, %add3A_1018 : vector<16xi32>
      %gather3A_1020 = tpu.vector_load_idx %arg7[%add3A_1019] : memref<2048xf32, #tpu.memory_space<vmem>>[vector<16xi32>], vector<16xf32>,
      %slice3A_1021 = vector.extract_strided_slice %mul3A_953 {offsets = [7], sizes = [1], strides = [1]} : vector<16xf32> to vector<1xf32>
      %squeeze3A_1022 = vector.extract %slice3A_1021[0] : f32 from vector<1xf32>
      %mul3A_1023 = vector.broadcast %squeeze3A_1022 : f32 to vector<16xf32>
      %mul3A_1024 = arith.mulf %mul3A_1023, %gather3A_1020 : vector<16xf32>
      %add3A_1025 = arith.addf %add3A_1016, %mul3A_1024 : vector<16xf32>
      %add3A_1026 = arith.constant 104 : i32
      %add3A_1027 = vector.broadcast %add3A_1026 : i32 to vector<16xi32>
      %add3A_1028 = arith.addi %mul3A_8, %add3A_1027 : vector<16xi32>
      %gather3A_1029 = tpu.vector_load_idx %arg7[%add3A_1028] : memref<2048xf32, #tpu.memory_space<vmem>>[vector<16xi32>], vector<16xf32>,
      %slice3A_1030 = vector.extract_strided_slice %mul3A_953 {offsets = [8], sizes = [1], strides = [1]} : vector<16xf32> to vector<1xf32>
      %squeeze3A_1031 = vector.extract %slice3A_1030[0] : f32 from vector<1xf32>
      %mul3A_1032 = vector.broadcast %squeeze3A_1031 : f32 to vector<16xf32>
      %mul3A_1033 = arith.mulf %mul3A_1032, %gather3A_1029 : vector<16xf32>
      %add3A_1034 = arith.addf %add3A_1025, %mul3A_1033 : vector<16xf32>
      %add3A_1035 = arith.constant 105 : i32
      %add3A_1036 = vector.broadcast %add3A_1035 : i32 to vector<16xi32>
      %add3A_1037 = arith.addi %mul3A_8, %add3A_1036 : vector<16xi32>
      %gather3A_1038 = tpu.vector_load_idx %arg7[%add3A_1037] : memref<2048xf32, #tpu.memory_space<vmem>>[vector<16xi32>], vector<16xf32>,
      %slice3A_1039 = vector.extract_strided_slice %mul3A_953 {offsets = [9], sizes = [1], strides = [1]} : vector<16xf32> to vector<1xf32>
      %squeeze3A_1040 = vector.extract %slice3A_1039[0] : f32 from vector<1xf32>
      %mul3A_1041 = vector.broadcast %squeeze3A_1040 : f32 to vector<16xf32>
      %mul3A_1042 = arith.mulf %mul3A_1041, %gather3A_1038 : vector<16xf32>
      %add3A_1043 = arith.addf %add3A_1034, %mul3A_1042 : vector<16xf32>
      %add3A_1044 = arith.constant 106 : i32
      %add3A_1045 = vector.broadcast %add3A_1044 : i32 to vector<16xi32>
      %add3A_1046 = arith.addi %mul3A_8, %add3A_1045 : vector<16xi32>
      %gather3A_1047 = tpu.vector_load_idx %arg7[%add3A_1046] : memref<2048xf32, #tpu.memory_space<vmem>>[vector<16xi32>], vector<16xf32>,
      %slice3A_1048 = vector.extract_strided_slice %mul3A_953 {offsets = [10], sizes = [1], strides = [1]} : vector<16xf32> to vector<1xf32>
      %squeeze3A_1049 = vector.extract %slice3A_1048[0] : f32 from vector<1xf32>
      %mul3A_1050 = vector.broadcast %squeeze3A_1049 : f32 to vector<16xf32>
      %mul3A_1051 = arith.mulf %mul3A_1050, %gather3A_1047 : vector<16xf32>
      %add3A_1052 = arith.addf %add3A_1043, %mul3A_1051 : vector<16xf32>
      %add3A_1053 = arith.constant 107 : i32
      %add3A_1054 = vector.broadcast %add3A_1053 : i32 to vector<16xi32>
      %add3A_1055 = arith.addi %mul3A_8, %add3A_1054 : vector<16xi32>
      %gather3A_1056 = tpu.vector_load_idx %arg7[%add3A_1055] : memref<2048xf32, #tpu.memory_space<vmem>>[vector<16xi32>], vector<16xf32>,
      %slice3A_1057 = vector.extract_strided_slice %mul3A_953 {offsets = [11], sizes = [1], strides = [1]} : vector<16xf32> to vector<1xf32>
      %squeeze3A_1058 = vector.extract %slice3A_1057[0] : f32 from vector<1xf32>
      %mul3A_1059 = vector.broadcast %squeeze3A_1058 : f32 to vector<16xf32>
      %mul3A_1060 = arith.mulf %mul3A_1059, %gather3A_1056 : vector<16xf32>
      %add3A_1061 = arith.addf %add3A_1052, %mul3A_1060 : vector<16xf32>
      %add3A_1062 = arith.constant 108 : i32
      %add3A_1063 = vector.broadcast %add3A_1062 : i32 to vector<16xi32>
      %add3A_1064 = arith.addi %mul3A_8, %add3A_1063 : vector<16xi32>
      %gather3A_1065 = tpu.vector_load_idx %arg7[%add3A_1064] : memref<2048xf32, #tpu.memory_space<vmem>>[vector<16xi32>], vector<16xf32>,
      %slice3A_1066 = vector.extract_strided_slice %mul3A_953 {offsets = [12], sizes = [1], strides = [1]} : vector<16xf32> to vector<1xf32>
      %squeeze3A_1067 = vector.extract %slice3A_1066[0] : f32 from vector<1xf32>
      %mul3A_1068 = vector.broadcast %squeeze3A_1067 : f32 to vector<16xf32>
      %mul3A_1069 = arith.mulf %mul3A_1068, %gather3A_1065 : vector<16xf32>
      %add3A_1070 = arith.addf %add3A_1061, %mul3A_1069 : vector<16xf32>
      %add3A_1071 = arith.constant 109 : i32
      %add3A_1072 = vector.broadcast %add3A_1071 : i32 to vector<16xi32>
      %add3A_1073 = arith.addi %mul3A_8, %add3A_1072 : vector<16xi32>
      %gather3A_1074 = tpu.vector_load_idx %arg7[%add3A_1073] : memref<2048xf32, #tpu.memory_space<vmem>>[vector<16xi32>], vector<16xf32>,
      %slice3A_1075 = vector.extract_strided_slice %mul3A_953 {offsets = [13], sizes = [1], strides = [1]} : vector<16xf32> to vector<1xf32>
      %squeeze3A_1076 = vector.extract %slice3A_1075[0] : f32 from vector<1xf32>
      %mul3A_1077 = vector.broadcast %squeeze3A_1076 : f32 to vector<16xf32>
      %mul3A_1078 = arith.mulf %mul3A_1077, %gather3A_1074 : vector<16xf32>
      %add3A_1079 = arith.addf %add3A_1070, %mul3A_1078 : vector<16xf32>
      %add3A_1080 = arith.constant 110 : i32
      %add3A_1081 = vector.broadcast %add3A_1080 : i32 to vector<16xi32>
      %add3A_1082 = arith.addi %mul3A_8, %add3A_1081 : vector<16xi32>
      %gather3A_1083 = tpu.vector_load_idx %arg7[%add3A_1082] : memref<2048xf32, #tpu.memory_space<vmem>>[vector<16xi32>], vector<16xf32>,
      %slice3A_1084 = vector.extract_strided_slice %mul3A_953 {offsets = [14], sizes = [1], strides = [1]} : vector<16xf32> to vector<1xf32>
      %squeeze3A_1085 = vector.extract %slice3A_1084[0] : f32 from vector<1xf32>
      %mul3A_1086 = vector.broadcast %squeeze3A_1085 : f32 to vector<16xf32>
      %mul3A_1087 = arith.mulf %mul3A_1086, %gather3A_1083 : vector<16xf32>
      %add3A_1088 = arith.addf %add3A_1079, %mul3A_1087 : vector<16xf32>
      %add3A_1089 = arith.constant 111 : i32
      %add3A_1090 = vector.broadcast %add3A_1089 : i32 to vector<16xi32>
      %add3A_1091 = arith.addi %mul3A_8, %add3A_1090 : vector<16xi32>
      %gather3A_1092 = tpu.vector_load_idx %arg7[%add3A_1091] : memref<2048xf32, #tpu.memory_space<vmem>>[vector<16xi32>], vector<16xf32>,
      %slice3A_1093 = vector.extract_strided_slice %mul3A_953 {offsets = [15], sizes = [1], strides = [1]} : vector<16xf32> to vector<1xf32>
      %squeeze3A_1094 = vector.extract %slice3A_1093[0] : f32 from vector<1xf32>
      %mul3A_1095 = vector.broadcast %squeeze3A_1094 : f32 to vector<16xf32>
      %mul3A_1096 = arith.mulf %mul3A_1095, %gather3A_1092 : vector<16xf32>
      %add3A_1097 = arith.addf %add3A_1088, %mul3A_1096 : vector<16xf32>
      %get3A_1098 = arith.constant 0 : i32
      %get3A_1099 = arith.index_cast %get3A_1098 : i32 to index
      %get3A_1100 = arith.constant 112 : index
      %get3A_1101 = tpu.vector_load %arg6[%get3A_1099, %get3A_1100] {strides = array<i32>} : memref<2x128xf32, #tpu.memory_space<vmem>>, vector<16xf32>,
      %get3A_1102 = arith.constant 1 : i32
      %get3A_1103 = arith.index_cast %get3A_1102 : i32 to index
      %get3A_1104 = arith.constant 112 : index
      %get3A_1105 = tpu.vector_load %arg6[%get3A_1103, %get3A_1104] {strides = array<i32>} : memref<2x128xf32, #tpu.memory_space<vmem>>, vector<16xf32>,
      %add3A_1106 = arith.addf %get3A_1101, %get3A_1105 : vector<16xf32>
      %mul3A_1107 = arith.constant 5.000000e-01 : f32
      %mul3A_1108 = vector.broadcast %mul3A_1107 : f32 to vector<16xf32>
      %mul3A_1109 = arith.mulf %add3A_1106, %mul3A_1108 : vector<16xf32>
      %add3A_1110 = arith.constant 112 : i32
      %add3A_1111 = vector.broadcast %add3A_1110 : i32 to vector<16xi32>
      %add3A_1112 = arith.addi %mul3A_8, %add3A_1111 : vector<16xi32>
      %gather3A_1113 = tpu.vector_load_idx %arg7[%add3A_1112] : memref<2048xf32, #tpu.memory_space<vmem>>[vector<16xi32>], vector<16xf32>,
      %slice3A_1114 = vector.extract_strided_slice %mul3A_1109 {offsets = [0], sizes = [1], strides = [1]} : vector<16xf32> to vector<1xf32>
      %squeeze3A_1115 = vector.extract %slice3A_1114[0] : f32 from vector<1xf32>
      %mul3A_1116 = vector.broadcast %squeeze3A_1115 : f32 to vector<16xf32>
      %mul3A_1117 = arith.mulf %mul3A_1116, %gather3A_1113 : vector<16xf32>
      %add3A_1118 = arith.addf %add3A_1097, %mul3A_1117 : vector<16xf32>
      %add3A_1119 = arith.constant 113 : i32
      %add3A_1120 = vector.broadcast %add3A_1119 : i32 to vector<16xi32>
      %add3A_1121 = arith.addi %mul3A_8, %add3A_1120 : vector<16xi32>
      %gather3A_1122 = tpu.vector_load_idx %arg7[%add3A_1121] : memref<2048xf32, #tpu.memory_space<vmem>>[vector<16xi32>], vector<16xf32>,
      %slice3A_1123 = vector.extract_strided_slice %mul3A_1109 {offsets = [1], sizes = [1], strides = [1]} : vector<16xf32> to vector<1xf32>
      %squeeze3A_1124 = vector.extract %slice3A_1123[0] : f32 from vector<1xf32>
      %mul3A_1125 = vector.broadcast %squeeze3A_1124 : f32 to vector<16xf32>
      %mul3A_1126 = arith.mulf %mul3A_1125, %gather3A_1122 : vector<16xf32>
      %add3A_1127 = arith.addf %add3A_1118, %mul3A_1126 : vector<16xf32>
      %add3A_1128 = arith.constant 114 : i32
      %add3A_1129 = vector.broadcast %add3A_1128 : i32 to vector<16xi32>
      %add3A_1130 = arith.addi %mul3A_8, %add3A_1129 : vector<16xi32>
      %gather3A_1131 = tpu.vector_load_idx %arg7[%add3A_1130] : memref<2048xf32, #tpu.memory_space<vmem>>[vector<16xi32>], vector<16xf32>,
      %slice3A_1132 = vector.extract_strided_slice %mul3A_1109 {offsets = [2], sizes = [1], strides = [1]} : vector<16xf32> to vector<1xf32>
      %squeeze3A_1133 = vector.extract %slice3A_1132[0] : f32 from vector<1xf32>
      %mul3A_1134 = vector.broadcast %squeeze3A_1133 : f32 to vector<16xf32>
      %mul3A_1135 = arith.mulf %mul3A_1134, %gather3A_1131 : vector<16xf32>
      %add3A_1136 = arith.addf %add3A_1127, %mul3A_1135 : vector<16xf32>
      %add3A_1137 = arith.constant 115 : i32
      %add3A_1138 = vector.broadcast %add3A_1137 : i32 to vector<16xi32>
      %add3A_1139 = arith.addi %mul3A_8, %add3A_1138 : vector<16xi32>
      %gather3A_1140 = tpu.vector_load_idx %arg7[%add3A_1139] : memref<2048xf32, #tpu.memory_space<vmem>>[vector<16xi32>], vector<16xf32>,
      %slice3A_1141 = vector.extract_strided_slice %mul3A_1109 {offsets = [3], sizes = [1], strides = [1]} : vector<16xf32> to vector<1xf32>
      %squeeze3A_1142 = vector.extract %slice3A_1141[0] : f32 from vector<1xf32>
      %mul3A_1143 = vector.broadcast %squeeze3A_1142 : f32 to vector<16xf32>
      %mul3A_1144 = arith.mulf %mul3A_1143, %gather3A_1140 : vector<16xf32>
      %add3A_1145 = arith.addf %add3A_1136, %mul3A_1144 : vector<16xf32>
      %add3A_1146 = arith.constant 116 : i32
      %add3A_1147 = vector.broadcast %add3A_1146 : i32 to vector<16xi32>
      %add3A_1148 = arith.addi %mul3A_8, %add3A_1147 : vector<16xi32>
      %gather3A_1149 = tpu.vector_load_idx %arg7[%add3A_1148] : memref<2048xf32, #tpu.memory_space<vmem>>[vector<16xi32>], vector<16xf32>,
      %slice3A_1150 = vector.extract_strided_slice %mul3A_1109 {offsets = [4], sizes = [1], strides = [1]} : vector<16xf32> to vector<1xf32>
      %squeeze3A_1151 = vector.extract %slice3A_1150[0] : f32 from vector<1xf32>
      %mul3A_1152 = vector.broadcast %squeeze3A_1151 : f32 to vector<16xf32>
      %mul3A_1153 = arith.mulf %mul3A_1152, %gather3A_1149 : vector<16xf32>
      %add3A_1154 = arith.addf %add3A_1145, %mul3A_1153 : vector<16xf32>
      %add3A_1155 = arith.constant 117 : i32
      %add3A_1156 = vector.broadcast %add3A_1155 : i32 to vector<16xi32>
      %add3A_1157 = arith.addi %mul3A_8, %add3A_1156 : vector<16xi32>
      %gather3A_1158 = tpu.vector_load_idx %arg7[%add3A_1157] : memref<2048xf32, #tpu.memory_space<vmem>>[vector<16xi32>], vector<16xf32>,
      %slice3A_1159 = vector.extract_strided_slice %mul3A_1109 {offsets = [5], sizes = [1], strides = [1]} : vector<16xf32> to vector<1xf32>
      %squeeze3A_1160 = vector.extract %slice3A_1159[0] : f32 from vector<1xf32>
      %mul3A_1161 = vector.broadcast %squeeze3A_1160 : f32 to vector<16xf32>
      %mul3A_1162 = arith.mulf %mul3A_1161, %gather3A_1158 : vector<16xf32>
      %add3A_1163 = arith.addf %add3A_1154, %mul3A_1162 : vector<16xf32>
      %add3A_1164 = arith.constant 118 : i32
      %add3A_1165 = vector.broadcast %add3A_1164 : i32 to vector<16xi32>
      %add3A_1166 = arith.addi %mul3A_8, %add3A_1165 : vector<16xi32>
      %gather3A_1167 = tpu.vector_load_idx %arg7[%add3A_1166] : memref<2048xf32, #tpu.memory_space<vmem>>[vector<16xi32>], vector<16xf32>,
      %slice3A_1168 = vector.extract_strided_slice %mul3A_1109 {offsets = [6], sizes = [1], strides = [1]} : vector<16xf32> to vector<1xf32>
      %squeeze3A_1169 = vector.extract %slice3A_1168[0] : f32 from vector<1xf32>
      %mul3A_1170 = vector.broadcast %squeeze3A_1169 : f32 to vector<16xf32>
      %mul3A_1171 = arith.mulf %mul3A_1170, %gather3A_1167 : vector<16xf32>
      %add3A_1172 = arith.addf %add3A_1163, %mul3A_1171 : vector<16xf32>
      %add3A_1173 = arith.constant 119 : i32
      %add3A_1174 = vector.broadcast %add3A_1173 : i32 to vector<16xi32>
      %add3A_1175 = arith.addi %mul3A_8, %add3A_1174 : vector<16xi32>
      %gather3A_1176 = tpu.vector_load_idx %arg7[%add3A_1175] : memref<2048xf32, #tpu.memory_space<vmem>>[vector<16xi32>], vector<16xf32>,
      %slice3A_1177 = vector.extract_strided_slice %mul3A_1109 {offsets = [7], sizes = [1], strides = [1]} : vector<16xf32> to vector<1xf32>
      %squeeze3A_1178 = vector.extract %slice3A_1177[0] : f32 from vector<1xf32>
      %mul3A_1179 = vector.broadcast %squeeze3A_1178 : f32 to vector<16xf32>
      %mul3A_1180 = arith.mulf %mul3A_1179, %gather3A_1176 : vector<16xf32>
      %add3A_1181 = arith.addf %add3A_1172, %mul3A_1180 : vector<16xf32>
      %add3A_1182 = arith.constant 120 : i32
      %add3A_1183 = vector.broadcast %add3A_1182 : i32 to vector<16xi32>
      %add3A_1184 = arith.addi %mul3A_8, %add3A_1183 : vector<16xi32>
      %gather3A_1185 = tpu.vector_load_idx %arg7[%add3A_1184] : memref<2048xf32, #tpu.memory_space<vmem>>[vector<16xi32>], vector<16xf32>,
      %slice3A_1186 = vector.extract_strided_slice %mul3A_1109 {offsets = [8], sizes = [1], strides = [1]} : vector<16xf32> to vector<1xf32>
      %squeeze3A_1187 = vector.extract %slice3A_1186[0] : f32 from vector<1xf32>
      %mul3A_1188 = vector.broadcast %squeeze3A_1187 : f32 to vector<16xf32>
      %mul3A_1189 = arith.mulf %mul3A_1188, %gather3A_1185 : vector<16xf32>
      %add3A_1190 = arith.addf %add3A_1181, %mul3A_1189 : vector<16xf32>
      %add3A_1191 = arith.constant 121 : i32
      %add3A_1192 = vector.broadcast %add3A_1191 : i32 to vector<16xi32>
      %add3A_1193 = arith.addi %mul3A_8, %add3A_1192 : vector<16xi32>
      %gather3A_1194 = tpu.vector_load_idx %arg7[%add3A_1193] : memref<2048xf32, #tpu.memory_space<vmem>>[vector<16xi32>], vector<16xf32>,
      %slice3A_1195 = vector.extract_strided_slice %mul3A_1109 {offsets = [9], sizes = [1], strides = [1]} : vector<16xf32> to vector<1xf32>
      %squeeze3A_1196 = vector.extract %slice3A_1195[0] : f32 from vector<1xf32>
      %mul3A_1197 = vector.broadcast %squeeze3A_1196 : f32 to vector<16xf32>
      %mul3A_1198 = arith.mulf %mul3A_1197, %gather3A_1194 : vector<16xf32>
      %add3A_1199 = arith.addf %add3A_1190, %mul3A_1198 : vector<16xf32>
      %add3A_1200 = arith.constant 122 : i32
      %add3A_1201 = vector.broadcast %add3A_1200 : i32 to vector<16xi32>
      %add3A_1202 = arith.addi %mul3A_8, %add3A_1201 : vector<16xi32>
      %gather3A_1203 = tpu.vector_load_idx %arg7[%add3A_1202] : memref<2048xf32, #tpu.memory_space<vmem>>[vector<16xi32>], vector<16xf32>,
      %slice3A_1204 = vector.extract_strided_slice %mul3A_1109 {offsets = [10], sizes = [1], strides = [1]} : vector<16xf32> to vector<1xf32>
      %squeeze3A_1205 = vector.extract %slice3A_1204[0] : f32 from vector<1xf32>
      %mul3A_1206 = vector.broadcast %squeeze3A_1205 : f32 to vector<16xf32>
      %mul3A_1207 = arith.mulf %mul3A_1206, %gather3A_1203 : vector<16xf32>
      %add3A_1208 = arith.addf %add3A_1199, %mul3A_1207 : vector<16xf32>
      %add3A_1209 = arith.constant 123 : i32
      %add3A_1210 = vector.broadcast %add3A_1209 : i32 to vector<16xi32>
      %add3A_1211 = arith.addi %mul3A_8, %add3A_1210 : vector<16xi32>
      %gather3A_1212 = tpu.vector_load_idx %arg7[%add3A_1211] : memref<2048xf32, #tpu.memory_space<vmem>>[vector<16xi32>], vector<16xf32>,
      %slice3A_1213 = vector.extract_strided_slice %mul3A_1109 {offsets = [11], sizes = [1], strides = [1]} : vector<16xf32> to vector<1xf32>
      %squeeze3A_1214 = vector.extract %slice3A_1213[0] : f32 from vector<1xf32>
      %mul3A_1215 = vector.broadcast %squeeze3A_1214 : f32 to vector<16xf32>
      %mul3A_1216 = arith.mulf %mul3A_1215, %gather3A_1212 : vector<16xf32>
      %add3A_1217 = arith.addf %add3A_1208, %mul3A_1216 : vector<16xf32>
      %add3A_1218 = arith.constant 124 : i32
      %add3A_1219 = vector.broadcast %add3A_1218 : i32 to vector<16xi32>
      %add3A_1220 = arith.addi %mul3A_8, %add3A_1219 : vector<16xi32>
      %gather3A_1221 = tpu.vector_load_idx %arg7[%add3A_1220] : memref<2048xf32, #tpu.memory_space<vmem>>[vector<16xi32>], vector<16xf32>,
      %slice3A_1222 = vector.extract_strided_slice %mul3A_1109 {offsets = [12], sizes = [1], strides = [1]} : vector<16xf32> to vector<1xf32>
      %squeeze3A_1223 = vector.extract %slice3A_1222[0] : f32 from vector<1xf32>
      %mul3A_1224 = vector.broadcast %squeeze3A_1223 : f32 to vector<16xf32>
      %mul3A_1225 = arith.mulf %mul3A_1224, %gather3A_1221 : vector<16xf32>
      %add3A_1226 = arith.addf %add3A_1217, %mul3A_1225 : vector<16xf32>
      %add3A_1227 = arith.constant 125 : i32
      %add3A_1228 = vector.broadcast %add3A_1227 : i32 to vector<16xi32>
      %add3A_1229 = arith.addi %mul3A_8, %add3A_1228 : vector<16xi32>
      %gather3A_1230 = tpu.vector_load_idx %arg7[%add3A_1229] : memref<2048xf32, #tpu.memory_space<vmem>>[vector<16xi32>], vector<16xf32>,
      %slice3A_1231 = vector.extract_strided_slice %mul3A_1109 {offsets = [13], sizes = [1], strides = [1]} : vector<16xf32> to vector<1xf32>
      %squeeze3A_1232 = vector.extract %slice3A_1231[0] : f32 from vector<1xf32>
      %mul3A_1233 = vector.broadcast %squeeze3A_1232 : f32 to vector<16xf32>
      %mul3A_1234 = arith.mulf %mul3A_1233, %gather3A_1230 : vector<16xf32>
      %add3A_1235 = arith.addf %add3A_1226, %mul3A_1234 : vector<16xf32>
      %add3A_1236 = arith.constant 126 : i32
      %add3A_1237 = vector.broadcast %add3A_1236 : i32 to vector<16xi32>
      %add3A_1238 = arith.addi %mul3A_8, %add3A_1237 : vector<16xi32>
      %gather3A_1239 = tpu.vector_load_idx %arg7[%add3A_1238] : memref<2048xf32, #tpu.memory_space<vmem>>[vector<16xi32>], vector<16xf32>,
      %slice3A_1240 = vector.extract_strided_slice %mul3A_1109 {offsets = [14], sizes = [1], strides = [1]} : vector<16xf32> to vector<1xf32>
      %squeeze3A_1241 = vector.extract %slice3A_1240[0] : f32 from vector<1xf32>
      %mul3A_1242 = vector.broadcast %squeeze3A_1241 : f32 to vector<16xf32>
      %mul3A_1243 = arith.mulf %mul3A_1242, %gather3A_1239 : vector<16xf32>
      %add3A_1244 = arith.addf %add3A_1235, %mul3A_1243 : vector<16xf32>
      %add3A_1245 = arith.constant 127 : i32
      %add3A_1246 = vector.broadcast %add3A_1245 : i32 to vector<16xi32>
      %add3A_1247 = arith.addi %mul3A_8, %add3A_1246 : vector<16xi32>
      %gather3A_1248 = tpu.vector_load_idx %arg7[%add3A_1247] : memref<2048xf32, #tpu.memory_space<vmem>>[vector<16xi32>], vector<16xf32>,
      %slice3A_1249 = vector.extract_strided_slice %mul3A_1109 {offsets = [15], sizes = [1], strides = [1]} : vector<16xf32> to vector<1xf32>
      %squeeze3A_1250 = vector.extract %slice3A_1249[0] : f32 from vector<1xf32>
      %mul3A_1251 = vector.broadcast %squeeze3A_1250 : f32 to vector<16xf32>
      %mul3A_1252 = arith.mulf %mul3A_1251, %gather3A_1248 : vector<16xf32>
      %add3A_1253 = arith.addf %add3A_1244, %mul3A_1252 : vector<16xf32>
      %max3A = arith.constant 0.000000e+00 : f32
      %max3A_1254 = vector.broadcast %max3A : f32 to vector<16xf32>
      %max3A_1255 = arith.maximumf %add3A_1253, %max3A_1254 : vector<16xf32>
      %swap3A = arith.constant 0 : index
      %swap3A_1256 = tpu.vector_load %arg9[%swap3A] {strides = array<i32>} : memref<16xf32, #tpu.memory_space<vmem>>, vector<16xf32>,
      tpu.vector_store %arg9[%swap3A], %max3A_1255 {strides = array<i32>} : memref<16xf32, #tpu.memory_space<vmem>>, vector<16xf32>,
      "tpu.region"() ({
        %run_scoped3A = tpu.sem_alloc : memref<!tpu.dma_semaphore, #tpu.memory_space<semaphore_mem>>
        %dma_start3A = arith.constant 0 : i32
        %dma_start3A_1257 = tpu.memref_slice %arg5[%arg1, %dma_start3A] : memref<8x16xf32, #tpu.memory_space<hbm>> -> memref<1x16xf32, #tpu.memory_space<hbm>>
        %dma_start3A_1258 = tpu.memref_squeeze %dma_start3A_1257 : memref<1x16xf32, #tpu.memory_space<hbm>> -> memref<16xf32, #tpu.memory_space<hbm>>
        %dma_start3A_1259 = arith.constant 0 : i32
        %dma_start3A_1260 = tpu.memref_slice %arg5[%arg1, %dma_start3A_1259] : memref<8x16xf32, #tpu.memory_space<hbm>> -> memref<1x16xf32, #tpu.memory_space<hbm>>
        %dma_start3A_1261 = tpu.memref_squeeze %dma_start3A_1260 : memref<1x16xf32, #tpu.memory_space<hbm>> -> memref<16xf32, #tpu.memory_space<hbm>>
        tpu.enqueue_dma source(%arg9 : memref<16xf32, #tpu.memory_space<vmem>>) target(%dma_start3A_1261 : memref<16xf32, #tpu.memory_space<hbm>>) target_semaphore(%run_scoped3A : memref<!tpu.dma_semaphore, #tpu.memory_space<semaphore_mem>>)
        %dma_wait3A = arith.constant 0 : i32
        %dma_wait3A_1262 = tpu.memref_slice %arg5[%arg1, %dma_wait3A] : memref<8x16xf32, #tpu.memory_space<hbm>> -> memref<1x16xf32, #tpu.memory_space<hbm>>
        %dma_wait3A_1263 = tpu.memref_squeeze %dma_wait3A_1262 : memref<1x16xf32, #tpu.memory_space<hbm>> -> memref<16xf32, #tpu.memory_space<hbm>>
        %dma_wait3A_1264 = arith.constant 0 : i32
        %dma_wait3A_1265 = tpu.memref_slice %arg5[%arg1, %dma_wait3A_1264] : memref<8x16xf32, #tpu.memory_space<hbm>> -> memref<1x16xf32, #tpu.memory_space<hbm>>
        %dma_wait3A_1266 = tpu.memref_squeeze %dma_wait3A_1265 : memref<1x16xf32, #tpu.memory_space<hbm>> -> memref<16xf32, #tpu.memory_space<hbm>>
        tpu.wait_dma2 semaphore(%run_scoped3A : memref<!tpu.dma_semaphore, #tpu.memory_space<semaphore_mem>>) src(%arg9 : memref<16xf32, #tpu.memory_space<vmem>>) dst(%dma_wait3A_1266 : memref<16xf32, #tpu.memory_space<hbm>>)
        tpu.yield
      }) : () -> ()
    } else {
    }
    return
  }
}

</mosaic_0001>

<sc_bundles>
// kernel: kernel.3.cloned.1.call-start
scs
__scs_entry_jumppad:
0x0: {  	(pc) =	sbr.rel $0x88, $3  }
0x1: {  	(tag) =	ssettag $0x0;
	lr =	simm.s32 $0x1  }
0x2: {  	[smem:$0x3F9E] =	sst lr;
	_ =	strace $0xD0000000  }
0x3: {  	_ = 	snop  }
0x4: {  	_ = 	snop  }
0x5: {  	_ = 	snop  }
0x6: {  	_ = 	snop  }
0x7: {  	_ = 	snop  }
__scs_overlays_trampoline_lowered:
0x8: {  	[smem:$0x3FAD] =	sst s0  }
0x9: {  	[smem:$0x3FAE] =	sst s1  }
0xa: {  	[smem:$0x3FAF] =	sst s2  }
0xb: {  	[smem:$0x3FB0] =	sst s3  }
0xc: {  	[smem:$0x3FB1] =	sst s4  }
0xd: {  	[smem:$0x3FB2] =	sst s5  }
0xe: {  	[smem:$0x3FB3] =	sst s6  }
0xf: {  	[smem:$0x3FB4] =	sst s7  }
0x10: {  	[smem:$0x3FB5] =	sst s8  }
0x11: {  	[smem:$0x3FB6] =	sst s9;
	s0 =	simm.s32 @!p0 $0x0  }
0x12: {  	s1 =	sld [smem:$0x3F9C];
	s0 =	simm.s32 @p0 $0x1  }
0x13: {  	[smem:$0x3FB7] =	sst s0;
	s0 =	simm.s32 @!p1 $0x0  }
0x14: {  	s2 =	sld [smem:$0x3F9B];
	s0 =	simm.s32 @p1 $0x1  }
0x15: {  	[smem:$0x3FB8] =	sst s0;
	s0 =	simm.s32 @!p2 $0x0  }
0x16: {  	s3 =	sld [smem:$0x3FDB];
	s0 =	simm.s32 @p2 $0x1  }
0x17: {  	s4 =	simm.s32 $0x1BF5;
	[smem:$0x3FBA] =	sst s0  }
0x18: {  	s0 =	sld [smem:$0x3F9D];
	_ =	swait.ge [sflag:s4], $0x0  }
0x19: {  	s7 =	sld [smem:$0x3F9E]  }
0x1a: {  	s8 =	sadd.s32 $0xFFFFE003, lr  }
0x1b: {  	s9 =	sadd.s32 $0xFFFFFEF7, lr;
	s5 =	simm.s32 $0xFFFFFFFF;
	p2 =	slt.u32 s8, $0xFFFFF086  }
0x1c: {  	p1 =	slt.u32 s9, $0xF7A;
	s5 =	simm.s32 @!p2 $0x0  }
0x1d: {  	s5 =	simm.s32 @p1 $0x1;
	p0 =	seq.s32 s7, s2  }
0x1e: {  	s7 =	smul.u32 @!p0 $0xF7A, s2;
	p2 =	seq.s32 @!p0 s5, $0x0  }
0x1f: {  	s9 =	smul.u32 $0xF7A, s1;
	s8 =	simm.s32 @!p0 $0x1BF5;
	p2 =	por !p2, p0  }
0x20: {  	[sflag:s8] =	ssyncset.s32 @!p0 $0xFFFFF086;
	s6 =	sadd.s32 @!p0 s3, s7;
	s7 =	simm.s32 @!p0 $0x108  }
0x21: {  	s3 =	sadd.s32 s3, s9;
	s6 =	sadd.s32 @!p0 $0x88, s6;
	s7 =	simm.s32 @p2 $0x1082  }
0x22: {  	[simem:s7], [sflag:s8] =	dma.local @!p0 [hbm:s6], $0xF7A  }
0x23: {  	s9 =	sor.u32 $0xD0000000, s2;
	s6 =	simm.s32 $0x108;
	_ =	swait.ge @!p0 [sflag:s8], $0x0  }
0x24: {  	s3 =	sadd.s32 $0x88, s3;
	s6 =	simm.s32 @!p1 $0x1082;
	[sflag:s4] =	ssyncset.s32 $0xFFFFF086  }
0x25: {  	[simem:s6], [sflag:s4] =	dma.local [hbm:s3], $0xF7A  }
0x26: {  	[smem:$0x3F9E] =	sst s1;
	(tag) =	ssettag s2;
	_ =	strace s9  }
0x27: {  	s1 =	sld [smem:$0x3FAE]  }
0x28: {  	s2 =	sld [smem:$0x3FAF]  }
0x29: {  	s4 =	sld [smem:$0x3FB1]  }
0x2a: {  	p0 =	seq.s32 s5, $0x0;
	s5 =	sld [smem:$0x3FB2]  }
0x2b: {  	s6 =	sld [smem:$0x3FB3]  }
0x2c: {  	s7 =	sld [smem:$0x3FB4]  }
0x2d: {  	s3 =	simm.s32 $0x108;
	s8 =	sld [smem:$0x3FB5]  }
0x2e: {  	s3 =	simm.s32 @!p0 $0x1082;
	s9 =	sld [smem:$0x3FB6]  }
0x2f: {  	lr =	sadd.s32 s0, s3;
	s0 =	sld [smem:$0x3FAD]  }
0x30: {  	s3 =	sld [smem:$0x3FB0]  }
0x31: {  	[smem:$0x3FB9] =	sst s10  }
0x32: {  	s10 =	sld [smem:$0x3FB7];
	_ =	sdelay $0x3  }
0x33: {  	p0 =	seq.s32 s10, $0x1;
	s10 =	sld [smem:$0x3FB9];
	_ =	sdelay $0x3  }
0x34: {  	[smem:$0x3FB9] =	sst s10  }
0x35: {  	s10 =	sld [smem:$0x3FB8];
	_ =	sdelay $0x3  }
0x36: {  	p1 =	seq.s32 s10, $0x1;
	s10 =	sld [smem:$0x3FB9];
	_ =	sdelay $0x3  }
0x37: {  	[smem:$0x3FB9] =	sst s10  }
0x38: {  	s10 =	sld [smem:$0x3FBA]  }
0x39: {  	_ = 	snop;
	(pc) =	sbr.ind lr, $3  }
0x3a: {  	_ = 	snop  }
0x3b: {  	_ = 	snop  }
0x3c: {  	p2 =	seq.s32 s10, $0x1;
	s10 =	sld [smem:$0x3FB9]  }
0x3d: {  	_ =	shalt  }
0x3e: {  	_ =	shalt  }
0x3f: {  	_ =	shalt  }
0x40: {  	_ =	shalt  }
0x41: {  	_ =	shalt  }
0x42: {  	_ =	shalt  }
0x43: {  	_ =	shalt  }
0x44: {  	_ =	shalt  }
0x45: {  	_ =	shalt  }
0x46: {  	_ =	shalt  }
0x47: {  	_ =	shalt  }
0x48: {  	_ =	shalt  }
0x49: {  	_ =	shalt  }
0x4a: {  	_ =	shalt  }
0x4b: {  	_ =	shalt  }
0x4c: {  	_ =	shalt  }
0x4d: {  	_ =	shalt  }
0x4e: {  	_ =	shalt  }
0x4f: {  	_ =	shalt  }
0x50: {  	_ =	shalt  }
0x51: {  	_ =	shalt  }
0x52: {  	_ =	shalt  }
0x53: {  	_ =	shalt  }
0x54: {  	_ =	shalt  }
0x55: {  	_ =	shalt  }
0x56: {  	_ =	shalt  }
0x57: {  	_ =	shalt  }
0x58: {  	_ =	shalt  }
0x59: {  	_ =	shalt  }
0x5a: {  	_ =	shalt  }
0x5b: {  	_ =	shalt  }
0x5c: {  	_ =	shalt  }
0x5d: {  	_ =	shalt  }
0x5e: {  	_ =	shalt  }
0x5f: {  	_ =	shalt  }
0x60: {  	_ =	shalt  }
0x61: {  	_ =	shalt  }
0x62: {  	_ =	shalt  }
0x63: {  	_ =	shalt  }
0x64: {  	_ =	shalt  }
0x65: {  	_ =	shalt  }
0x66: {  	_ =	shalt  }
0x67: {  	_ =	shalt  }
0x68: {  	_ =	shalt  }
0x69: {  	_ =	shalt  }
0x6a: {  	_ =	shalt  }
0x6b: {  	_ =	shalt  }
0x6c: {  	_ =	shalt  }
0x6d: {  	_ =	shalt  }
0x6e: {  	_ =	shalt  }
0x6f: {  	_ =	shalt  }
0x70: {  	_ =	shalt  }
0x71: {  	_ =	shalt  }
0x72: {  	_ =	shalt  }
0x73: {  	_ =	shalt  }
0x74: {  	_ =	shalt  }
0x75: {  	_ =	shalt  }
0x76: {  	_ =	shalt  }
0x77: {  	_ =	shalt  }
0x78: {  	_ =	shalt  }
0x79: {  	_ =	shalt  }
0x7a: {  	_ =	shalt  }
0x7b: {  	_ =	shalt  }
0x7c: {  	_ =	shalt  }
0x7d: {  	_ =	shalt  }
0x7e: {  	_ =	shalt  }
0x7f: {  	_ =	shalt  }
0x80: {  	_ =	shalt  }
0x81: {  	_ =	shalt  }
0x82: {  	_ =	shalt  }
0x83: {  	_ =	shalt  }
0x84: {  	_ =	shalt  }
0x85: {  	_ =	shalt  }
0x86: {  	_ =	shalt  }
0x87: {  	_ =	shalt  }
.Lfunc_end0:
.L_simem_size_0:
called_computation_lowered:
.L_overlay_start_0:
0x88: {  	s2 =	sld [smem:$0x3FD9]  }
0x89: {  	s3 =	sld [smem:$0x3FFE];
	_ =	sdelay $0x1  }
0x8a: {  	s1 =	srdreg.scid  }
0x8b: {  	s0 =	sand.u32 $0x1, s1  }
0x8c: {  	s17 =	sshll.u32 s0, $0xA;
	s2 =	sadd.s32 s3, s2  }
0x8d: {  	s2 =	sadd.s32 s2, s17  }
0x8e: {  	[smem:$0x3FC5] =	sst s2  }
0x8f: {  	_ = 	snop  }
0x90: {  	s2 =	sld [smem:$0x3FC9]  }
0x91: {  	s18 =	sld [smem:$0x3FC8]  }
0x92: {  	s4 =	sld [smem:$0x3FC7];
	(tm) =	ssettm $0x1  }
0x93: {  	s5 =	sld [smem:$0x3FFB];
	_ =	sdelay $0x3  }
0x94: {  	_ =	strace s5  }
0x95: {  	s5 =	sld [smem:$0x3FFC];
	_ =	sdelay $0x3  }
0x96: {  	_ =	strace s5  }
0x97: {  	s5 =	sld [smem:$0x3FFD];
	_ =	sdelay $0x3  }
0x98: {  	_ =	strace s5  }
0x99: {  	_ =	strace $0x8FFFFFFF  }
0x9a: {  	s19 =	sld [smem:$0x3FDB];
	_ =	sdelay $0x1  }
0x9b: {  	s6 =	simm.s32 $_scs_section_size  }
0x9c: {  	s7 =	simm.s32 $_size__tile_overlayer_lowered;
	s8 =	simm.s32 $_tile_overlayer_lowered  }
0x9d: {  	s22 =	simm.s32 $0x1BFF;
	s21 =	sshll.u32 s8, $0x1;
	s5 =	sadd.s32 s6, s19  }
0x9e: {  	s9 =	simm.s32 $0x0;
	s20 =	sshll.u32 s7, $0x1;
	s7 =	sadd.s32 s21, s5  }
0x9f: {  	[timem:s9], [sflag:s22] =	dma.local [hbm:s7], s20  }
0xa0: {  	_ =	swait.ge [sflag:s22], s20  }
0xa1: {  	s6 =	ssub.s32 $0x0, s20;
	[sflag:s22] =	ssyncset.done $0x0  }
0xa2: {  	[sflag:s22] =	ssyncadd.s32 s6;
	_ =	sdelay $0x1  }
0xa3: {  	s23 =	simm.s32 $0x1B8B  }
0xa4: {  	_ =	swait.ge [sflag:s23], $0x1  }
0xa5: {  	[sflag:s23] =	ssyncset.done $0x0  }
0xa6: {  	s25 =	simm.s32 $0x1B8E;
	s24 =	sld [smem:$0x3FFE];
	[sflag:s23] =	ssyncadd.s32 $0xFFFFFFFF  }
0xa7: {  	s26 =	simm.s32 $execute0_lowered;
	[smem:$0x3FD2] =	sst s25  }
0xa8: {  	s7 =	sshll.u32 s26, $0x1;
	_ =	strace $0x80000046;
	[dreg:$0x1] =	wrdreg $0xFFFFFFFF  }
0xa9: {  	s28 =	simm.s32 $_size_execute0_lowered;
	s5 =	sadd.s32 s5, s7;
	[dreg:$0x0] =	wrdreg $0x0  }
0xaa: {  	s7 =	sshll.u32 s28, $0x1;
	[dreg:$0x2] =	wrdreg s5  }
0xab: {  	[dreg:$0x3] =	wrdreg s7  }
0xac: {  	[dreg:$0x4] =	wrdreg $0xC0  }
0xad: {  	_ =	task [dreg:s9], $0x5FFFF  }
0xae: {  	[dreg:$0x1] =	wrdreg $0xFFFFFFFF  }
0xaf: {  	[dreg:$0x0] =	wrdreg $0x60  }
0xb0: {  	[dreg:$0x2] =	wrdreg s2  }
0xb1: {  	[dreg:$0x3] =	wrdreg s18  }
0xb2: {  	[dreg:$0x4] =	wrdreg s4  }
0xb3: {  	[dreg:$0x5] =	wrdreg s24  }
0xb4: {  	[dreg:$0x6] =	wrdreg $0x9  }
0xb5: {  	_ =	task.clear_ibuf [dreg:s9], $0x7FFFF;
	_ =	strace $0x90000046  }
0xb6: {  	s29 =	simm.s32 $0x9;
	_ =	strace $0x80000048  }
0xb7: {  	_ =	swait.ge [sflag:s29], $0x1  }
0xb8: {  	[sflag:s29] =	ssyncadd.s32 $0xFFFFFFFF  }
0xb9: {  	_ =	strace $0x90000048  }
0xba: {  	_ =	sfence  }
0xbb: {  	s30 =	sld [smem:$0x0];
	_ =	sdelay $0x2  }
0xbc: {  	s31 =	sshll.u32 s1, $0xD;
	s1 =	sshrl.u32 s1, $0x2  }
0xbd: {  	s3 =	sand.u32 $0x4000, s31;
	s1 =	sadd.s32 s1, s30  }
0xbe: {  	s0 =	sor.u32 s3, s0;
	s1 =	sshll.u32 s1, $0x11  }
0xbf: {  	s0 =	sor.u32 s1, s0  }
0xc0: {  	s0 =	sadd.s32 $0x8F2B, s0  }
0xc1: {  	[sflag:s0] =	ssyncadd.remote.s32 $0x1  }
0xc2: {  	_ =	sfence.sel $0xFFFF  }
0xc3: {  	[dreg:$0x0] =	wrdreg $0xFFFFFFFF;
	(pc) =	sbr.abs _section_cstart, $3  }
0xc4: {  	[dreg:$0x1] =	wrdreg $0xFFFFFFFF  }
0xc5: {  	_ =	task.clear_ibuf [dreg:s9], $0x2FFFF;
	_ =	strace $0x9FFFFFFF  }
0xc6: {  	(tm) =	ssettm $0x7FFFFFFF  }
0xc7: {  	_ =	shalt  }
tec
execute0_lowered:
.L_overlay_start_1:
0x0: {  	(tag) =	ssettag $0x1  }
0x1: {  	s0 =	srdreg.scid  }
0x2: {  	s0 =	sand.u32 $0x1, s0  }
0x3: {  	s1 =	stileid.u32;
	p0 =	seq.s32 s0, $0x1  }
0x4: {  	p1 =	sgt.u32 @!p0 s1, $0x7  }
0x5: {  	s4 =	rddreg [dreg:$0x0];
	p0 =	por p0, p1  }
.Ltmp0:
0x6: {  	s5 =	rddreg [dreg:$0x1];
	(pc) =	sbr.rel @p0 .LBB2_2-.Ltmp0, $4  }
0x7: {  	s6 =	rddreg [dreg:$0x2]  }
0x8: {  	s3 =	rddreg [dreg:$0x3];
	s2 =	simm.s32 $0x0  }
0x9: {  	[smem:$0x7FF] =	sst s2  }
0xa: {  	s0 =	rddreg [dreg:$0x4];
	_ =	strace $0x80000047  }
0xb: {  	[tilespmem:s2], [sflag:$0x1] =	stream.linear.gather [hbm4b:s4+s2], $0x100, $0x38;
	[tilespmem:$0xA00] =	vst v63  }
0xc: {  	s25 =	simm.s32 $0x1  }
0xd: {  	_ =	swait.ge [sflag:s25], $0x100  }
0xe: {  	s7 =	sshll.u32 s1, $0x8;
	[sflag:s25] =	ssyncset.done $0x0  }
0xf: {  	s26 =	simm.s32 $0x100;
	s7 =	sadd.s32 s5, s7;
	[sflag:s25] =	ssyncadd.s32 $0xFFFFFF00  }
0x10: {  	[tilespmem:s26], [sflag:$0x1] =	stream.linear.gather [hbm4b:s7+s2], $0x800, $0x38;
	[tilespmem:$0xA00] =	vst v63  }
0x11: {  	_ =	swait.ge [sflag:s25], $0x800  }
0x12: {  	s28 =	sshll.u32 s1, $0x1;
	[sflag:s25] =	ssyncset.done $0x0  }
0x13: {  	s29 =	simm.s32 $0x900;
	s6 =	sadd.s32 s6, s28;
	[sflag:s25] =	ssyncadd.s32 $0xFFFFF800  }
0x14: {  	[tilespmem:s29], [sflag:$0x1] =	stream.linear.gather [hbm4b:s6+s2], $0x10, $0x38;
	[tilespmem:$0xA00] =	vst v63  }
0x15: {  	_ =	swait.ge [sflag:s25], $0x10  }
0x16: {  	[sflag:s25] =	ssyncset.done $0x0  }
0x17: {  	[sflag:s25] =	ssyncadd.s32 $0xFFFFFFF0  }
0x18: {  	v0 =	vlaneseq.u32;
	v1 =	vld [tilespmem:$0x0]  }
0x19: {  	v0 =	vmul.u32 $0x80, v0;
	v2 =	vld [tilespmem:$0x80];
	_ =	sdelay $0x2  }
0x1a: {  	v3 =	vor.u32 $0x1, v0;
	_ =	sdelay $0x1  }
0x1b: {  	v20 =	vor.u32 $0x2, v0;
	v1 =	vadd.f32 v2, v1  }
0x1c: {  	v4 =	vld.idx.msk [tilespmem:v0+s26+$0x0], $0xffff  }
0x1d: {  	v6 =	vor.u32 $0x3, v0;
	v5 =	vld [tilespmem:$0x900];
	v1 =	vmul.f32 $5.000000000e-01, v1  }
0x1e: {  	v3 =	vld.idx.msk [tilespmem:v3+s26+$0x0], $0xffff  }
0x1f: {  	v8 =	vor.u32 $0x4, v0;
	v7 =	vbroadcast v1, $0x0  }
0x20: {  	v2 =	vld.idx.msk [tilespmem:v20+s26+$0x0], $0xffff  }
0x21: {  	v9 =	vor.u32 $0x5, v0;
	v21 =	vbroadcast v1, $0x1;
	v4 =	vmul.f32 v7, v4  }
0x22: {  	v23 =	vor.u32 $0x6, v0;
	v6 =	vld.idx.msk [tilespmem:v6+s26+$0x0], $0xffff  }
0x23: {  	v22 =	vbroadcast v1, $0x2;
	v3 =	vmul.f32 v21, v3;
	v4 =	vadd.f32 v4, v5  }
0x24: {  	v26 =	vor.u32 $0x7, v0;
	v24 =	vld.idx.msk [tilespmem:v8+s26+$0x0], $0xffff  }
0x25: {  	v25 =	vbroadcast v1, $0x3;
	v2 =	vmul.f32 v2, v22;
	v3 =	vadd.f32 v4, v3  }
0x26: {  	v29 =	vor.u32 $0x8, v0;
	v27 =	vld.idx.msk [tilespmem:v9+s26+$0x0], $0xffff  }
0x27: {  	v28 =	vbroadcast v1, $0x4;
	v5 =	vmul.f32 v6, v25;
	v2 =	vadd.f32 v3, v2  }
0x28: {  	v32 =	vor.u32 $0x9, v0;
	v7 =	vld.idx.msk [tilespmem:v23+s26+$0x0], $0xffff  }
0x29: {  	v30 =	vbroadcast v1, $0x5;
	v4 =	vmul.f32 v24, v28;
	v2 =	vadd.f32 v2, v5  }
0x2a: {  	v35 =	vor.u32 $0xA, v0;
	v31 =	vld.idx.msk [tilespmem:v26+s26+$0x0], $0xffff  }
0x2b: {  	v33 =	vbroadcast v1, $0x6;
	v3 =	vmul.f32 v27, v30;
	v2 =	vadd.f32 v2, v4  }
0x2c: {  	v38 =	vor.u32 $0xB, v0;
	v34 =	vld.idx.msk [tilespmem:v29+s26+$0x0], $0xffff  }
0x2d: {  	v37 =	vbroadcast v1, $0x7;
	v36 =	vmul.f32 v7, v33;
	v2 =	vadd.f32 v2, v3  }
0x2e: {  	v42 =	vor.u32 $0xC, v0;
	v41 =	vld.idx.msk [tilespmem:v32+s26+$0x0], $0xffff  }
0x2f: {  	v40 =	vbroadcast v1, $0x8;
	v39 =	vmul.f32 v31, v37;
	v2 =	vadd.f32 v2, v36  }
0x30: {  	v45 =	vor.u32 $0xD, v0;
	v44 =	vld.idx.msk [tilespmem:v35+s26+$0x0], $0xffff  }
0x31: {  	v46 =	vbroadcast v1, $0x9;
	v43 =	vmul.f32 v34, v40;
	v2 =	vadd.f32 v2, v39  }
0x32: {  	v49 =	vor.u32 $0xE, v0;
	v47 =	vld.idx.msk [tilespmem:v38+s26+$0x0], $0xffff  }
0x33: {  	v8 =	vld.idx.msk [tilespmem:v42+s26+$0x0], $0xffff;
	v48 =	vbroadcast v1, $0xA;
	v6 =	vmul.f32 v41, v46;
	v2 =	vadd.f32 v2, v43  }
0x34: {  	v51 =	vor.u32 $0xF, v0;
	v10 =	vld [tilespmem:$0x10]  }
0x35: {  	v53 =	vld [tilespmem:$0x90];
	v50 =	vbroadcast v1, $0xB;
	v4 =	vmul.f32 v44, v48;
	v2 =	vadd.f32 v2, v6  }
0x36: {  	v11 =	vor.u32 $0x10, v0;
	v5 =	vld.idx.msk [tilespmem:v45+s26+$0x0], $0xffff  }
0x37: {  	v52 =	vbroadcast v1, $0xC;
	v3 =	vmul.f32 v47, v50;
	v2 =	vadd.f32 v2, v4  }
0x38: {  	v56 =	vor.u32 $0x11, v0;
	v9 =	vld.idx.msk [tilespmem:v49+s26+$0x0], $0xffff  }
0x39: {  	v55 =	vbroadcast v1, $0xD;
	v54 =	vmul.f32 v8, v52;
	v2 =	vadd.f32 v2, v3  }
0x3a: {  	v59 =	vor.u32 $0x12, v0;
	v58 =	vadd.f32 v53, v10;
	v7 =	vld.idx.msk [tilespmem:v51+s26+$0x0], $0xffff  }
0x3b: {  	v57 =	vbroadcast v1, $0xE;
	v4 =	vmul.f32 v5, v55;
	v2 =	vadd.f32 v2, v54  }
0x3c: {  	v63 =	vor.u32 $0x13, v0;
	v60 =	vld.idx.msk [tilespmem:v11+s26+$0x0], $0xffff;
	v61 =	vmul.f32 $5.000000000e-01, v58  }
0x3d: {  	v1 =	vbroadcast v1, $0xF;
	v3 =	vmul.f32 v9, v57;
	v2 =	vadd.f32 v2, v4  }
0x3e: {  	v12 =	vor.u32 $0x14, v0;
	v62 =	vld.idx.msk [tilespmem:v56+s26+$0x0], $0xffff  }
0x3f: {  	v11 =	vbroadcast v61, $0x0;
	v1 =	vmul.f32 v7, v1;
	v2 =	vadd.f32 v2, v3  }
0x40: {  	v15 =	vor.u32 $0x15, v0;
	v6 =	vld.idx.msk [tilespmem:v59+s26+$0x0], $0xffff  }
0x41: {  	v14 =	vbroadcast v61, $0x1;
	v13 =	vmul.f32 v11, v60;
	v1 =	vadd.f32 v2, v1  }
0x42: {  	v19 =	vor.u32 $0x16, v0;
	v18 =	vld.idx.msk [tilespmem:v63+s26+$0x0], $0xffff  }
0x43: {  	v17 =	vbroadcast v61, $0x2;
	v16 =	vmul.f32 v14, v62;
	v1 =	vadd.f32 v13, v1  }
0x44: {  	v21 =	vld.idx.msk [tilespmem:v12+s26+$0x0], $0xffff;
	v22 =	vbroadcast v61, $0x3  }
0x45: {  	v23 =	vor.u32 $0x17, v0;
	v20 =	vmul.f32 v6, v17;
	v1 =	vadd.f32 v1, v16  }
0x46: {  	v26 =	vor.u32 $0x18, v0;
	v24 =	vld.idx.msk [tilespmem:v15+s26+$0x0], $0xffff  }
0x47: {  	v25 =	vbroadcast v61, $0x4;
	v5 =	vmul.f32 v18, v22;
	v1 =	vadd.f32 v1, v20  }
0x48: {  	v29 =	vor.u32 $0x19, v0;
	v8 =	vld.idx.msk [tilespmem:v19+s26+$0x0], $0xffff  }
0x49: {  	v27 =	vbroadcast v61, $0x5;
	v3 =	vmul.f32 v21, v25;
	v1 =	vadd.f32 v1, v5  }
0x4a: {  	v32 =	vor.u32 $0x1A, v0;
	v28 =	vld.idx.msk [tilespmem:v23+s26+$0x0], $0xffff  }
0x4b: {  	v30 =	vbroadcast v61, $0x6;
	v2 =	vmul.f32 v24, v27;
	v1 =	vadd.f32 v1, v3  }
0x4c: {  	v35 =	vor.u32 $0x1B, v0;
	v31 =	vld.idx.msk [tilespmem:v26+s26+$0x0], $0xffff  }
0x4d: {  	v34 =	vbroadcast v61, $0x7;
	v33 =	vmul.f32 v8, v30;
	v1 =	vadd.f32 v1, v2  }
0x4e: {  	v38 =	vld.idx.msk [tilespmem:v29+s26+$0x0], $0xffff;
	v37 =	vbroadcast v61, $0x8  }
0x4f: {  	v36 =	vmul.f32 v28, v34;
	v39 =	vor.u32 $0x1C, v0;
	v1 =	vadd.f32 v1, v33  }
0x50: {  	v42 =	vor.u32 $0x1D, v0;
	v41 =	vld.idx.msk [tilespmem:v32+s26+$0x0], $0xffff  }
0x51: {  	v40 =	vmul.f32 v31, v37;
	v43 =	vbroadcast v61, $0x9;
	v1 =	vadd.f32 v1, v36  }
0x52: {  	v46 =	vor.u32 $0x1E, v0;
	v44 =	vld.idx.msk [tilespmem:v35+s26+$0x0], $0xffff  }
0x53: {  	v49 =	vld [tilespmem:$0x20];
	v45 =	vbroadcast v61, $0xA;
	v6 =	vmul.f32 v38, v43;
	v1 =	vadd.f32 v1, v40  }
0x54: {  	v48 =	vor.u32 $0x1F, v0;
	v7 =	vld.idx.msk [tilespmem:v39+s26+$0x0], $0xffff  }
0x55: {  	v51 =	vld [tilespmem:$0xA0];
	v47 =	vbroadcast v61, $0xB;
	v3 =	vmul.f32 v41, v45;
	v1 =	vadd.f32 v1, v6  }
0x56: {  	v52 =	vor.u32 $0x20, v0;
	v5 =	vld.idx.msk [tilespmem:v42+s26+$0x0], $0xffff  }
0x57: {  	v50 =	vbroadcast v61, $0xC;
	v2 =	vmul.f32 v44, v47;
	v1 =	vadd.f32 v1, v3  }
0x58: {  	v55 =	vor.u32 $0x21, v0;
	v9 =	vld.idx.msk [tilespmem:v46+s26+$0x0], $0xffff  }
0x59: {  	v8 =	vld.idx.msk [tilespmem:v48+s26+$0x0], $0xffff;
	v53 =	vmul.f32 v7, v50;
	v54 =	vbroadcast v61, $0xD;
	v1 =	vadd.f32 v1, v2  }
0x5a: {  	v58 =	vor.u32 $0x22, v0;
	v56 =	vbroadcast v61, $0xE  }
0x5b: {  	v57 =	vadd.f32 v51, v49;
	v3 =	vmul.f32 v5, v54;
	v1 =	vadd.f32 v1, v53  }
0x5c: {  	v60 =	vbroadcast v61, $0xF;
	v62 =	vor.u32 $0x23, v0;
	v59 =	vld.idx.msk [tilespmem:v52+s26+$0x0], $0xffff  }
0x5d: {  	v4 =	vmul.f32 $5.000000000e-01, v57;
	v2 =	vmul.f32 v9, v56;
	v1 =	vadd.f32 v1, v3  }
0x5e: {  	v63 =	vmul.f32 v8, v60;
	v61 =	vld.idx.msk [tilespmem:v55+s26+$0x0], $0xffff  }
0x5f: {  	v12 =	vbroadcast v4, $0x0;
	v13 =	vor.u32 $0x24, v0;
	v1 =	vadd.f32 v1, v2  }
0x60: {  	v15 =	vbroadcast v4, $0x1;
	v6 =	vld.idx.msk [tilespmem:v58+s26+$0x0], $0xffff  }
0x61: {  	v14 =	vmul.f32 v12, v59;
	v16 =	vor.u32 $0x25, v0;
	v1 =	vadd.f32 v1, v63  }
0x62: {  	v19 =	vld.idx.msk [tilespmem:v62+s26+$0x0], $0xffff;
	v18 =	vbroadcast v4, $0x2  }
0x63: {  	v17 =	vmul.f32 v15, v61;
	v20 =	vor.u32 $0x26, v0;
	v1 =	vadd.f32 v14, v1  }
0x64: {  	v23 =	vbroadcast v4, $0x3;
	v22 =	vld.idx.msk [tilespmem:v13+s26+$0x0], $0xffff  }
0x65: {  	v24 =	vor.u32 $0x27, v0;
	v21 =	vmul.f32 v6, v18;
	v1 =	vadd.f32 v1, v17  }
0x66: {  	v26 =	vbroadcast v4, $0x4;
	v25 =	vld.idx.msk [tilespmem:v16+s26+$0x0], $0xffff  }
0x67: {  	v27 =	vor.u32 $0x28, v0;
	v5 =	vmul.f32 v19, v23;
	v1 =	vadd.f32 v1, v21  }
0x68: {  	v30 =	vor.u32 $0x29, v0;
	v7 =	vld.idx.msk [tilespmem:v20+s26+$0x0], $0xffff  }
0x69: {  	v28 =	vbroadcast v4, $0x5;
	v3 =	vmul.f32 v22, v26;
	v1 =	vadd.f32 v1, v5  }
0x6a: {  	v31 =	vbroadcast v4, $0x6;
	v29 =	vld.idx.msk [tilespmem:v24+s26+$0x0], $0xffff  }
0x6b: {  	v33 =	vor.u32 $0x2A, v0;
	v2 =	vmul.f32 v25, v28;
	v1 =	vadd.f32 v1, v3  }
0x6c: {  	v35 =	vbroadcast v4, $0x7;
	v32 =	vld.idx.msk [tilespmem:v27+s26+$0x0], $0xffff  }
0x6d: {  	v34 =	vmul.f32 v7, v31;
	v36 =	vor.u32 $0x2B, v0;
	v1 =	vadd.f32 v1, v2  }
0x6e: {  	v39 =	vld.idx.msk [tilespmem:v30+s26+$0x0], $0xffff;
	v38 =	vbroadcast v4, $0x8  }
0x6f: {  	v37 =	vmul.f32 v29, v35;
	v40 =	vor.u32 $0x2C, v0;
	v1 =	vadd.f32 v1, v34  }
0x70: {  	v43 =	vor.u32 $0x2D, v0;
	v42 =	vld.idx.msk [tilespmem:v33+s26+$0x0], $0xffff  }
0x71: {  	v41 =	vmul.f32 v32, v38;
	v44 =	vbroadcast v4, $0x9;
	v1 =	vadd.f32 v1, v37  }
0x72: {  	v46 =	vbroadcast v4, $0xA;
	v45 =	vld.idx.msk [tilespmem:v36+s26+$0x0], $0xffff  }
0x73: {  	v52 =	vld [tilespmem:$0xB0];
	v47 =	vor.u32 $0x2E, v0;
	v6 =	vmul.f32 v39, v44;
	v1 =	vadd.f32 v1, v41  }
0x74: {  	v49 =	vor.u32 $0x2F, v0;
	v8 =	vld.idx.msk [tilespmem:v40+s26+$0x0], $0xffff  }
0x75: {  	v50 =	vld [tilespmem:$0x30];
	v48 =	vbroadcast v4, $0xB;
	v3 =	vmul.f32 v42, v46;
	v1 =	vadd.f32 v1, v6  }
0x76: {  	v51 =	vbroadcast v4, $0xC;
	v5 =	vld.idx.msk [tilespmem:v43+s26+$0x0], $0xffff  }
0x77: {  	v53 =	vor.u32 $0x30, v0;
	v2 =	vmul.f32 v45, v48;
	v1 =	vadd.f32 v1, v3  }
0x78: {  	v55 =	vbroadcast v4, $0xD;
	v9 =	vld.idx.msk [tilespmem:v47+s26+$0x0], $0xffff  }
0x79: {  	v7 =	vld.idx.msk [tilespmem:v49+s26+$0x0], $0xffff;
	v56 =	vor.u32 $0x31, v0;
	v54 =	vmul.f32 v8, v51;
	v1 =	vadd.f32 v1, v2  }
0x7a: {  	v57 =	vbroadcast v4, $0xE;
	v58 =	vadd.f32 v52, v50  }
0x7b: {  	v59 =	vor.u32 $0x32, v0;
	v3 =	vmul.f32 v5, v55;
	v1 =	vadd.f32 v1, v54  }
0x7c: {  	v61 =	vbroadcast v4, $0xF;
	v4 =	vmul.f32 $5.000000000e-01, v58;
	v60 =	vld.idx.msk [tilespmem:v53+s26+$0x0], $0xffff  }
0x7d: {  	v63 =	vor.u32 $0x33, v0;
	v2 =	vmul.f32 v9, v57;
	v1 =	vadd.f32 v1, v3  }
0x7e: {  	v12 =	vmul.f32 v7, v61;
	v62 =	vld.idx.msk [tilespmem:v56+s26+$0x0], $0xffff  }
0x7f: {  	v13 =	vbroadcast v4, $0x0;
	v14 =	vor.u32 $0x34, v0;
	v1 =	vadd.f32 v1, v2  }
0x80: {  	v16 =	vbroadcast v4, $0x1;
	v6 =	vld.idx.msk [tilespmem:v59+s26+$0x0], $0xffff  }
0x81: {  	v15 =	vmul.f32 v13, v60;
	v17 =	vor.u32 $0x35, v0;
	v1 =	vadd.f32 v1, v12  }
0x82: {  	v19 =	vbroadcast v4, $0x2;
	v20 =	vld.idx.msk [tilespmem:v63+s26+$0x0], $0xffff  }
0x83: {  	v18 =	vmul.f32 v16, v62;
	v21 =	vor.u32 $0x36, v0;
	v1 =	vadd.f32 v15, v1  }
0x84: {  	v24 =	vbroadcast v4, $0x3;
	v23 =	vld.idx.msk [tilespmem:v14+s26+$0x0], $0xffff  }
0x85: {  	v25 =	vor.u32 $0x37, v0;
	v22 =	vmul.f32 v6, v19;
	v1 =	vadd.f32 v1, v18  }
0x86: {  	v27 =	vbroadcast v4, $0x4;
	v26 =	vld.idx.msk [tilespmem:v17+s26+$0x0], $0xffff  }
0x87: {  	v28 =	vor.u32 $0x38, v0;
	v5 =	vmul.f32 v20, v24;
	v1 =	vadd.f32 v1, v22  }
0x88: {  	v31 =	vor.u32 $0x39, v0;
	v8 =	vld.idx.msk [tilespmem:v21+s26+$0x0], $0xffff  }
0x89: {  	v29 =	vbroadcast v4, $0x5;
	v3 =	vmul.f32 v23, v27;
	v1 =	vadd.f32 v1, v5  }
0x8a: {  	v32 =	vbroadcast v4, $0x6;
	v30 =	vld.idx.msk [tilespmem:v25+s26+$0x0], $0xffff  }
0x8b: {  	v34 =	vor.u32 $0x3A, v0;
	v2 =	vmul.f32 v26, v29;
	v1 =	vadd.f32 v1, v3  }
0x8c: {  	v36 =	vbroadcast v4, $0x7;
	v33 =	vld.idx.msk [tilespmem:v28+s26+$0x0], $0xffff  }
0x8d: {  	v35 =	vmul.f32 v8, v32;
	v37 =	vor.u32 $0x3B, v0;
	v1 =	vadd.f32 v1, v2  }
0x8e: {  	v40 =	vld.idx.msk [tilespmem:v31+s26+$0x0], $0xffff;
	v39 =	vbroadcast v4, $0x8  }
0x8f: {  	v38 =	vmul.f32 v30, v36;
	v41 =	vor.u32 $0x3C, v0;
	v1 =	vadd.f32 v1, v35  }
0x90: {  	v44 =	vor.u32 $0x3D, v0;
	v43 =	vld.idx.msk [tilespmem:v34+s26+$0x0], $0xffff  }
0x91: {  	v42 =	vmul.f32 v33, v39;
	v45 =	vbroadcast v4, $0x9;
	v1 =	vadd.f32 v1, v38  }
0x92: {  	v47 =	vbroadcast v4, $0xA;
	v46 =	vld.idx.msk [tilespmem:v37+s26+$0x0], $0xffff  }
0x93: {  	v51 =	vld [tilespmem:$0x40];
	v48 =	vor.u32 $0x3E, v0;
	v6 =	vmul.f32 v40, v45;
	v1 =	vadd.f32 v1, v42  }
0x94: {  	v50 =	vor.u32 $0x3F, v0;
	v7 =	vld.idx.msk [tilespmem:v41+s26+$0x0], $0xffff  }
0x95: {  	v49 =	vbroadcast v4, $0xB;
	v53 =	vld [tilespmem:$0xC0];
	v3 =	vmul.f32 v43, v47;
	v1 =	vadd.f32 v1, v6  }
0x96: {  	v52 =	vbroadcast v4, $0xC;
	v5 =	vld.idx.msk [tilespmem:v44+s26+$0x0], $0xffff  }
0x97: {  	v54 =	vor.u32 $0x40, v0;
	v2 =	vmul.f32 v46, v49;
	v1 =	vadd.f32 v1, v3  }
0x98: {  	v56 =	vbroadcast v4, $0xD;
	v9 =	vld.idx.msk [tilespmem:v48+s26+$0x0], $0xffff  }
0x99: {  	v8 =	vld.idx.msk [tilespmem:v50+s26+$0x0], $0xffff;
	v57 =	vor.u32 $0x41, v0;
	v55 =	vmul.f32 v7, v52;
	v1 =	vadd.f32 v1, v2  }
0x9a: {  	v58 =	vbroadcast v4, $0xE;
	v59 =	vadd.f32 v53, v51  }
0x9b: {  	v60 =	vor.u32 $0x42, v0;
	v3 =	vmul.f32 v5, v56;
	v1 =	vadd.f32 v1, v55  }
0x9c: {  	v62 =	vbroadcast v4, $0xF;
	v4 =	vmul.f32 $5.000000000e-01, v59;
	v61 =	vld.idx.msk [tilespmem:v54+s26+$0x0], $0xffff  }
0x9d: {  	v12 =	vor.u32 $0x43, v0;
	v2 =	vmul.f32 v9, v58;
	v1 =	vadd.f32 v1, v3  }
0x9e: {  	v13 =	vmul.f32 v8, v62;
	v63 =	vld.idx.msk [tilespmem:v57+s26+$0x0], $0xffff  }
0x9f: {  	v14 =	vbroadcast v4, $0x0;
	v15 =	vor.u32 $0x44, v0;
	v1 =	vadd.f32 v1, v2  }
0xa0: {  	v17 =	vbroadcast v4, $0x1;
	v6 =	vld.idx.msk [tilespmem:v60+s26+$0x0], $0xffff  }
0xa1: {  	v16 =	vmul.f32 v14, v61;
	v18 =	vor.u32 $0x45, v0;
	v1 =	vadd.f32 v1, v13  }
0xa2: {  	v20 =	vbroadcast v4, $0x2;
	v21 =	vld.idx.msk [tilespmem:v12+s26+$0x0], $0xffff  }
0xa3: {  	v19 =	vmul.f32 v17, v63;
	v22 =	vor.u32 $0x46, v0;
	v1 =	vadd.f32 v16, v1  }
0xa4: {  	v25 =	vbroadcast v4, $0x3;
	v24 =	vld.idx.msk [tilespmem:v15+s26+$0x0], $0xffff  }
0xa5: {  	v26 =	vor.u32 $0x47, v0;
	v23 =	vmul.f32 v6, v20;
	v1 =	vadd.f32 v1, v19  }
0xa6: {  	v28 =	vbroadcast v4, $0x4;
	v27 =	vld.idx.msk [tilespmem:v18+s26+$0x0], $0xffff  }
0xa7: {  	v29 =	vor.u32 $0x48, v0;
	v5 =	vmul.f32 v21, v25;
	v1 =	vadd.f32 v1, v23  }
0xa8: {  	v32 =	vor.u32 $0x49, v0;
	v7 =	vld.idx.msk [tilespmem:v22+s26+$0x0], $0xffff  }
0xa9: {  	v30 =	vbroadcast v4, $0x5;
	v3 =	vmul.f32 v24, v28;
	v1 =	vadd.f32 v1, v5  }
0xaa: {  	v33 =	vbroadcast v4, $0x6;
	v31 =	vld.idx.msk [tilespmem:v26+s26+$0x0], $0xffff  }
0xab: {  	v35 =	vor.u32 $0x4A, v0;
	v2 =	vmul.f32 v27, v30;
	v1 =	vadd.f32 v1, v3  }
0xac: {  	v37 =	vbroadcast v4, $0x7;
	v34 =	vld.idx.msk [tilespmem:v29+s26+$0x0], $0xffff  }
0xad: {  	v36 =	vmul.f32 v7, v33;
	v38 =	vor.u32 $0x4B, v0;
	v1 =	vadd.f32 v1, v2  }
0xae: {  	v41 =	vld.idx.msk [tilespmem:v32+s26+$0x0], $0xffff;
	v40 =	vbroadcast v4, $0x8  }
0xaf: {  	v39 =	vmul.f32 v31, v37;
	v42 =	vor.u32 $0x4C, v0;
	v1 =	vadd.f32 v1, v36  }
0xb0: {  	v45 =	vor.u32 $0x4D, v0;
	v44 =	vld.idx.msk [tilespmem:v35+s26+$0x0], $0xffff  }
0xb1: {  	v43 =	vmul.f32 v34, v40;
	v46 =	vbroadcast v4, $0x9;
	v1 =	vadd.f32 v1, v39  }
0xb2: {  	v48 =	vbroadcast v4, $0xA;
	v47 =	vld.idx.msk [tilespmem:v38+s26+$0x0], $0xffff  }
0xb3: {  	v52 =	vld [tilespmem:$0x50];
	v49 =	vor.u32 $0x4E, v0;
	v6 =	vmul.f32 v41, v46;
	v1 =	vadd.f32 v1, v43  }
0xb4: {  	v51 =	vor.u32 $0x4F, v0;
	v8 =	vld.idx.msk [tilespmem:v42+s26+$0x0], $0xffff  }
0xb5: {  	v50 =	vbroadcast v4, $0xB;
	v54 =	vld [tilespmem:$0xD0];
	v3 =	vmul.f32 v44, v48;
	v1 =	vadd.f32 v1, v6  }
0xb6: {  	v53 =	vbroadcast v4, $0xC;
	v5 =	vld.idx.msk [tilespmem:v45+s26+$0x0], $0xffff  }
0xb7: {  	v55 =	vor.u32 $0x50, v0;
	v2 =	vmul.f32 v47, v50;
	v1 =	vadd.f32 v1, v3  }
0xb8: {  	v57 =	vbroadcast v4, $0xD;
	v9 =	vld.idx.msk [tilespmem:v49+s26+$0x0], $0xffff  }
0xb9: {  	v7 =	vld.idx.msk [tilespmem:v51+s26+$0x0], $0xffff;
	v58 =	vor.u32 $0x51, v0;
	v56 =	vmul.f32 v8, v53;
	v1 =	vadd.f32 v1, v2  }
0xba: {  	v59 =	vbroadcast v4, $0xE;
	v60 =	vadd.f32 v54, v52  }
0xbb: {  	v61 =	vor.u32 $0x52, v0;
	v3 =	vmul.f32 v5, v57;
	v1 =	vadd.f32 v1, v56  }
0xbc: {  	v63 =	vbroadcast v4, $0xF;
	v4 =	vmul.f32 $5.000000000e-01, v60;
	v62 =	vld.idx.msk [tilespmem:v55+s26+$0x0], $0xffff  }
0xbd: {  	v13 =	vor.u32 $0x53, v0;
	v2 =	vmul.f32 v9, v59;
	v1 =	vadd.f32 v1, v3  }
0xbe: {  	v14 =	vmul.f32 v7, v63;
	v12 =	vld.idx.msk [tilespmem:v58+s26+$0x0], $0xffff  }
0xbf: {  	v15 =	vbroadcast v4, $0x0;
	v16 =	vor.u32 $0x54, v0;
	v1 =	vadd.f32 v1, v2  }
0xc0: {  	v18 =	vbroadcast v4, $0x1;
	v6 =	vld.idx.msk [tilespmem:v61+s26+$0x0], $0xffff  }
0xc1: {  	v17 =	vmul.f32 v15, v62;
	v19 =	vor.u32 $0x55, v0;
	v1 =	vadd.f32 v1, v14  }
0xc2: {  	v21 =	vbroadcast v4, $0x2;
	v22 =	vld.idx.msk [tilespmem:v13+s26+$0x0], $0xffff  }
0xc3: {  	v20 =	vmul.f32 v18, v12;
	v23 =	vor.u32 $0x56, v0;
	v1 =	vadd.f32 v17, v1  }
0xc4: {  	v26 =	vbroadcast v4, $0x3;
	v25 =	vld.idx.msk [tilespmem:v16+s26+$0x0], $0xffff  }
0xc5: {  	v27 =	vor.u32 $0x57, v0;
	v24 =	vmul.f32 v6, v21;
	v1 =	vadd.f32 v1, v20  }
0xc6: {  	v29 =	vbroadcast v4, $0x4;
	v28 =	vld.idx.msk [tilespmem:v19+s26+$0x0], $0xffff  }
0xc7: {  	v30 =	vor.u32 $0x58, v0;
	v5 =	vmul.f32 v22, v26;
	v1 =	vadd.f32 v1, v24  }
0xc8: {  	v33 =	vor.u32 $0x59, v0;
	v8 =	vld.idx.msk [tilespmem:v23+s26+$0x0], $0xffff  }
0xc9: {  	v31 =	vbroadcast v4, $0x5;
	v3 =	vmul.f32 v25, v29;
	v1 =	vadd.f32 v1, v5  }
0xca: {  	v34 =	vbroadcast v4, $0x6;
	v32 =	vld.idx.msk [tilespmem:v27+s26+$0x0], $0xffff  }
0xcb: {  	v36 =	vor.u32 $0x5A, v0;
	v2 =	vmul.f32 v28, v31;
	v1 =	vadd.f32 v1, v3  }
0xcc: {  	v38 =	vbroadcast v4, $0x7;
	v35 =	vld.idx.msk [tilespmem:v30+s26+$0x0], $0xffff  }
0xcd: {  	v37 =	vmul.f32 v8, v34;
	v39 =	vor.u32 $0x5B, v0;
	v1 =	vadd.f32 v1, v2  }
0xce: {  	v42 =	vld.idx.msk [tilespmem:v33+s26+$0x0], $0xffff;
	v41 =	vbroadcast v4, $0x8  }
0xcf: {  	v40 =	vmul.f32 v32, v38;
	v43 =	vor.u32 $0x5C, v0;
	v1 =	vadd.f32 v1, v37  }
0xd0: {  	v46 =	vor.u32 $0x5D, v0;
	v45 =	vld.idx.msk [tilespmem:v36+s26+$0x0], $0xffff  }
0xd1: {  	v44 =	vmul.f32 v35, v41;
	v47 =	vbroadcast v4, $0x9;
	v1 =	vadd.f32 v1, v40  }
0xd2: {  	v49 =	vbroadcast v4, $0xA;
	v48 =	vld.idx.msk [tilespmem:v39+s26+$0x0], $0xffff  }
0xd3: {  	v53 =	vld [tilespmem:$0x60];
	v50 =	vor.u32 $0x5E, v0;
	v6 =	vmul.f32 v42, v47;
	v1 =	vadd.f32 v1, v44  }
0xd4: {  	v52 =	vor.u32 $0x5F, v0;
	v7 =	vld.idx.msk [tilespmem:v43+s26+$0x0], $0xffff  }
0xd5: {  	v51 =	vbroadcast v4, $0xB;
	v55 =	vld [tilespmem:$0xE0];
	v3 =	vmul.f32 v45, v49;
	v1 =	vadd.f32 v1, v6  }
0xd6: {  	v54 =	vbroadcast v4, $0xC;
	v5 =	vld.idx.msk [tilespmem:v46+s26+$0x0], $0xffff  }
0xd7: {  	v56 =	vor.u32 $0x60, v0;
	v2 =	vmul.f32 v48, v51;
	v1 =	vadd.f32 v1, v3  }
0xd8: {  	v58 =	vbroadcast v4, $0xD;
	v9 =	vld.idx.msk [tilespmem:v50+s26+$0x0], $0xffff  }
0xd9: {  	v59 =	vor.u32 $0x61, v0;
	v57 =	vmul.f32 v7, v54;
	v1 =	vadd.f32 v1, v2  }
0xda: {  	v60 =	vbroadcast v4, $0xE;
	v62 =	vor.u32 $0x62, v0;
	v8 =	vld.idx.msk [tilespmem:v52+s26+$0x0], $0xffff  }
0xdb: {  	v61 =	vadd.f32 v55, v53;
	v3 =	vmul.f32 v5, v58;
	v1 =	vadd.f32 v1, v57  }
0xdc: {  	v11 =	vbroadcast v4, $0xF;
	v13 =	vor.u32 $0x63, v0;
	v63 =	vld.idx.msk [tilespmem:v56+s26+$0x0], $0xffff  }
0xdd: {  	v4 =	vmul.f32 $5.000000000e-01, v61;
	v2 =	vmul.f32 v9, v60;
	v1 =	vadd.f32 v1, v3  }
0xde: {  	v16 =	vor.u32 $0x64, v0;
	v12 =	vld.idx.msk [tilespmem:v59+s26+$0x0], $0xffff  }
0xdf: {  	v15 =	vbroadcast v4, $0x0;
	v14 =	vmul.f32 v8, v11;
	v1 =	vadd.f32 v1, v2  }
0xe0: {  	v19 =	vor.u32 $0x65, v0;
	v6 =	vld.idx.msk [tilespmem:v62+s26+$0x0], $0xffff  }
0xe1: {  	v18 =	vbroadcast v4, $0x1;
	v17 =	vmul.f32 v15, v63;
	v1 =	vadd.f32 v1, v14  }
0xe2: {  	v23 =	vor.u32 $0x66, v0;
	v22 =	vld.idx.msk [tilespmem:v13+s26+$0x0], $0xffff  }
0xe3: {  	v21 =	vbroadcast v4, $0x2;
	v20 =	vmul.f32 v18, v12;
	v1 =	vadd.f32 v17, v1  }
0xe4: {  	v27 =	vor.u32 $0x67, v0;
	v25 =	vld.idx.msk [tilespmem:v16+s26+$0x0], $0xffff  }
0xe5: {  	v26 =	vbroadcast v4, $0x3;
	v24 =	vmul.f32 v6, v21;
	v1 =	vadd.f32 v1, v20  }
0xe6: {  	v30 =	vor.u32 $0x68, v0;
	v28 =	vld.idx.msk [tilespmem:v19+s26+$0x0], $0xffff  }
0xe7: {  	v29 =	vbroadcast v4, $0x4;
	v5 =	vmul.f32 v22, v26;
	v1 =	vadd.f32 v1, v24  }
0xe8: {  	v33 =	vor.u32 $0x69, v0;
	v7 =	vld.idx.msk [tilespmem:v23+s26+$0x0], $0xffff  }
0xe9: {  	v31 =	vbroadcast v4, $0x5;
	v3 =	vmul.f32 v25, v29;
	v1 =	vadd.f32 v1, v5  }
0xea: {  	v32 =	vld.idx.msk [tilespmem:v27+s26+$0x0], $0xffff;
	v36 =	vor.u32 $0x6A, v0  }
0xeb: {  	v34 =	vbroadcast v4, $0x6;
	v2 =	vmul.f32 v28, v31;
	v1 =	vadd.f32 v1, v3  }
0xec: {  	v35 =	vld.idx.msk [tilespmem:v30+s26+$0x0], $0xffff;
	v39 =	vor.u32 $0x6B, v0  }
0xed: {  	v38 =	vbroadcast v4, $0x7;
	v37 =	vmul.f32 v7, v34;
	v1 =	vadd.f32 v1, v2  }
0xee: {  	v43 =	vor.u32 $0x6C, v0;
	v42 =	vld.idx.msk [tilespmem:v33+s26+$0x0], $0xffff  }
0xef: {  	v41 =	vbroadcast v4, $0x8;
	v40 =	vmul.f32 v32, v38;
	v1 =	vadd.f32 v1, v37  }
0xf0: {  	v47 =	vbroadcast v4, $0x9;
	v45 =	vld.idx.msk [tilespmem:v36+s26+$0x0], $0xffff  }
0xf1: {  	v46 =	vor.u32 $0x6D, v0;
	v44 =	vmul.f32 v35, v41;
	v1 =	vadd.f32 v1, v40  }
0xf2: {  	v50 =	vor.u32 $0x6E, v0;
	v48 =	vld.idx.msk [tilespmem:v39+s26+$0x0], $0xffff  }
0xf3: {  	v53 =	vld [tilespmem:$0x70];
	v49 =	vbroadcast v4, $0xA;
	v6 =	vmul.f32 v42, v47;
	v1 =	vadd.f32 v1, v44  }
0xf4: {  	v52 =	vor.u32 $0x6F, v0;
	v8 =	vld.idx.msk [tilespmem:v43+s26+$0x0], $0xffff  }
0xf5: {  	v55 =	vld [tilespmem:$0xF0];
	v51 =	vbroadcast v4, $0xB;
	v3 =	vmul.f32 v45, v49;
	v1 =	vadd.f32 v1, v6  }
0xf6: {  	v54 =	vbroadcast v4, $0xC;
	v5 =	vld.idx.msk [tilespmem:v46+s26+$0x0], $0xffff  }
0xf7: {  	v56 =	vor.u32 $0x70, v0;
	v9 =	vld.idx.msk [tilespmem:v50+s26+$0x0], $0xffff;
	v2 =	vmul.f32 v48, v51;
	v1 =	vadd.f32 v1, v3  }
0xf8: {  	v59 =	vor.u32 $0x71, v0  }
0xf9: {  	v58 =	vbroadcast v4, $0xD;
	v57 =	vmul.f32 v8, v54;
	v1 =	vadd.f32 v1, v2  }
0xfa: {  	v61 =	vbroadcast v4, $0xE;
	v63 =	vor.u32 $0x72, v0;
	v62 =	vld.idx.msk [tilespmem:v52+s26+$0x0], $0xffff  }
0xfb: {  	v60 =	vmul.f32 v5, v58;
	v6 =	vadd.f32 v55, v53;
	v1 =	vadd.f32 v1, v57  }
0xfc: {  	v13 =	vld.idx.msk [tilespmem:v56+s26+$0x0], $0xffff;
	v4 =	vbroadcast v4, $0xF;
	v12 =	vmul.f32 v9, v61  }
0xfd: {  	v14 =	vor.u32 $0x73, v0;
	v6 =	vmul.f32 $5.000000000e-01, v6;
	v1 =	vadd.f32 v1, v60  }
0xfe: {  	v18 =	vor.u32 $0x74, v0;
	v8 =	vld.idx.msk [tilespmem:v59+s26+$0x0], $0xffff  }
0xff: {  	v15 =	vmul.f32 v62, v4;
	v16 =	vbroadcast v6, $0x0;
	v1 =	vadd.f32 v1, v12  }
0x100: {  	v22 =	vor.u32 $0x75, v0;
	v17 =	vld.idx.msk [tilespmem:v63+s26+$0x0], $0xffff  }
0x101: {  	v20 =	vbroadcast v6, $0x1;
	v19 =	vmul.f32 v16, v13;
	v1 =	vadd.f32 v1, v15  }
0x102: {  	v25 =	vor.u32 $0x76, v0;
	v21 =	vld.idx.msk [tilespmem:v14+s26+$0x0], $0xffff  }
0x103: {  	v24 =	vbroadcast v6, $0x2;
	v23 =	vmul.f32 v20, v8;
	v1 =	vadd.f32 v19, v1  }
0x104: {  	v29 =	vor.u32 $0x77, v0;
	v28 =	vld.idx.msk [tilespmem:v18+s26+$0x0], $0xffff  }
0x105: {  	v27 =	vbroadcast v6, $0x3;
	v26 =	vmul.f32 v17, v24;
	v1 =	vadd.f32 v1, v23  }
0x106: {  	v33 =	vor.u32 $0x78, v0;
	v31 =	vld.idx.msk [tilespmem:v22+s26+$0x0], $0xffff  }
0x107: {  	v32 =	vbroadcast v6, $0x4;
	v30 =	vmul.f32 v21, v27;
	v1 =	vadd.f32 v1, v26  }
0x108: {  	v36 =	vor.u32 $0x79, v0;
	v34 =	vld.idx.msk [tilespmem:v25+s26+$0x0], $0xffff  }
0x109: {  	v35 =	vbroadcast v6, $0x5;
	v4 =	vmul.f32 v28, v32;
	v1 =	vadd.f32 v1, v30  }
0x10a: {  	v39 =	vor.u32 $0x7A, v0;
	v7 =	vld.idx.msk [tilespmem:v29+s26+$0x0], $0xffff  }
0x10b: {  	v37 =	vbroadcast v6, $0x6;
	v3 =	vmul.f32 v31, v35;
	v1 =	vadd.f32 v1, v4  }
0x10c: {  	v38 =	vld.idx.msk [tilespmem:v33+s26+$0x0], $0xffff;
	v42 =	vor.u32 $0x7B, v0  }
0x10d: {  	v40 =	vbroadcast v6, $0x7;
	v2 =	vmul.f32 v34, v37;
	v1 =	vadd.f32 v1, v3  }
0x10e: {  	v41 =	vld.idx.msk [tilespmem:v36+s26+$0x0], $0xffff;
	v45 =	vor.u32 $0x7C, v0  }
0x10f: {  	v44 =	vbroadcast v6, $0x8;
	v43 =	vmul.f32 v7, v40;
	v1 =	vadd.f32 v1, v2  }
0x110: {  	v49 =	vor.u32 $0x7D, v0;
	v48 =	vld.idx.msk [tilespmem:v39+s26+$0x0], $0xffff  }
0x111: {  	v47 =	vbroadcast v6, $0x9;
	v46 =	vmul.f32 v38, v44;
	v1 =	vadd.f32 v1, v43  }
0x112: {  	v51 =	vld.idx.msk [tilespmem:v42+s26+$0x0], $0xffff;
	v53 =	vor.u32 $0x7E, v0  }
0x113: {  	v52 =	vbroadcast v6, $0xA;
	v50 =	vmul.f32 v41, v47;
	v1 =	vadd.f32 v1, v46  }
0x114: {  	v54 =	vld.idx.msk [tilespmem:v45+s26+$0x0], $0xffff;
	v0 =	vor.u32 $0x7F, v0  }
0x115: {  	v55 =	vbroadcast v6, $0xB;
	v4 =	vmul.f32 v48, v52;
	v1 =	vadd.f32 v1, v50  }
0x116: {  	v56 =	vld.idx.msk [tilespmem:v49+s26+$0x0], $0xffff  }
0x117: {  	v57 =	vbroadcast v6, $0xC;
	v3 =	vmul.f32 v51, v55;
	v1 =	vadd.f32 v1, v4  }
0x118: {  	v58 =	vld.idx.msk [tilespmem:v53+s26+$0x0], $0xffff  }
0x119: {  	v59 =	vbroadcast v6, $0xD;
	v2 =	vmul.f32 v54, v57;
	v1 =	vadd.f32 v1, v3  }
0x11a: {  	v0 =	vld.idx.msk [tilespmem:v0+s26+$0x0], $0xffff  }
0x11b: {  	v61 =	vbroadcast v6, $0xE;
	v60 =	vmul.f32 v56, v59;
	v1 =	vadd.f32 v1, v2;
	_ =	sdelay $0x1  }
0x11c: {  	v63 =	vbroadcast v6, $0xF;
	v62 =	vmul.f32 v58, v61;
	v1 =	vadd.f32 v1, v60;
	_ =	sdelay $0x1  }
0x11d: {  	v0 =	vmul.f32 v0, v63;
	v1 =	vadd.f32 v1, v62;
	_ =	sdelay $0x1  }
0x11e: {  	v0 =	vadd.f32 v1, v0;
	_ =	sdelay $0x1  }
0x11f: {  	s3 =	sadd.s32 $0x400, s3;
	s30 =	sshll.u32 s1, $0x4;
	v0 =	vmax.f32 v0, $0.0e+00  }
0x120: {  	s31 =	simm.s32 $0x980;
	s3 =	sadd.s32 s3, s30;
	[tilespmem:$0x980] =	vst v0  }
0x121: {  	[hbm4b:s3+s2] =	stream.linear.scatter [tilespmem:s31], [sflag:$0x1], $0x80, $0x38;
	[tilespmem:$0xA00] =	vst v63  }
0x122: {  	_ =	swait.ge [sflag:s25], $0x80  }
0x123: {  	[sflag:s25] =	ssyncset.done $0x0  }
0x124: {  	[sflag:s25] =	ssyncadd.s32 $0xFFFFFF80  }
.LBB2_2:
0x125: {  	_ =	sfence.sel $0x180000  }
0x126: {  	[bflag:$0x0] =	sbarrier.arrive $0xFFFF  }
0x127: {  	p0 =	sne.s32 s1, $0x0;
	_ =	strace $0x90000047  }
0x128: {  	s0 =	sadd.s32 @!p0 $0x100000, s0;
	[bflag:$0x2] =	sbarrier.arrive $0xFFFF  }
0x129: {  	[sflag:s0] =	ssyncadd.tile.s32 @!p0 $0x1;
	_ =	shalt  }
.Lfunc_end2:
_tile_overlayer_lowered:
.L_overlay_start_2:
0x12a: {  	(tag) =	ssettag $0x2  }
0x12b: {  	s0 =	rddreg [dreg:$0x0];
	s2 =	stileid.u32  }
0x12c: {  	s1 =	rddreg [dreg:$0x1];
	p0 =	sne.s32 s2, $0x0  }
0x12d: {  	s3 =	rddreg [dreg:$0x2];
	[bflag:$0x3] =	sbarrier.arrive $0xFFFF;
	s2 =	simm.s32 @!p0 $0x1C01  }
0x12e: {  	[timem:s3], [sflag:s2] =	dma.local @!p0 [hbm:s0], s1  }
0x12f: {  	s0 =	simm.s32 @!p0 $0x1  }
0x130: {  	_ =	swait.ge @!p0 [sflag:s0], s1  }
0x131: {  	s1 =	ssub.s32 @!p0 $0x0, s1;
	[sflag:s0] =	ssyncset.done @!p0 $0x0  }
0x132: {  	[sflag:s0] =	ssyncadd.s32 @!p0 s1  }
0x133: {  	[bflag:$0x3] =	sbarrier.arrive $0xFFFF  }
0x134: {  	_ =	shalt  }

</sc_bundles>
